<compile_context>
chip_gen: v7x
topology: tpu7x:2x2x1
jax: 0.10.2.dev20260603
libtpu: 0.0.44.dev20260713+nightly
codegen_flags: <defaults>
</compile_context>

<pallas_src>
import jax
import jax.numpy as jnp
from jax import lax
from jax.experimental import pallas as pl
from jax.experimental.pallas import tpu as pltpu
from jax.experimental.pallas import tpu_sc as plsc

N_NODES = 10000
N_HEDGES = 5000
N_PAIRS = 320000
D = 128

NC = 2
NS = 16
NW = NC * NS
L = 16

CHUNK = 128
VP = 327680
CPT = VP // (NW * CHUNK)
EPAD = 5120
NPAD = 10240
E_ROWS_PER_TILE = EPAD // NS
N_ROWS_PER_TILE = NPAD // NS


def _sc_mesh():
    return plsc.VectorSubcoreMesh(core_axis_name="c", subcore_axis_name="s")


def _edge_accum_body(x, vidx, eidx, z_edge, out, out_cnt,
                     idxv, idxe, buf, ones, znb, cntb, acc, cnt, sem):
    c = lax.axis_index("c")
    s = lax.axis_index("s")
    wid = c * NS + s
    pltpu.sync_copy(z_edge, acc.at[pl.ds(s * E_ROWS_PER_TILE, E_ROWS_PER_TILE)])

    def zbody(g, h):
        znb[pl.ds(g * L, L)] = jnp.zeros((L,), jnp.float32)
        return h
    lax.fori_loop(0, E_ROWS_PER_TILE // L, zbody, 0)
    pltpu.sync_copy(znb, cnt.at[pl.ds(s * E_ROWS_PER_TILE, E_ROWS_PER_TILE)])

    def obody(g, h):
        ones[pl.ds(g * L, L)] = jnp.ones((L,), jnp.float32)
        return h
    lax.fori_loop(0, CHUNK // L, obody, 0)

    pltpu.sync_copy(vidx.at[wid], idxv)
    pltpu.sync_copy(eidx.at[wid], idxe)
    plsc.subcore_barrier()

    def body(j, carry):
        pltpu.async_copy(x.at[idxv.at[j]], buf, sem).wait()
        pltpu.sync_copy(buf, acc.at[idxe.at[j]], add=True)
        pltpu.sync_copy(ones, cnt.at[idxe.at[j]], add=True)
        return carry

    lax.fori_loop(0, CPT, body, 0)
    plsc.subcore_barrier()
    pltpu.sync_copy(acc.at[pl.ds(s * E_ROWS_PER_TILE, E_ROWS_PER_TILE)],
                    out.at[c, pl.ds(s * E_ROWS_PER_TILE, E_ROWS_PER_TILE)])

    @pl.when(s == 0)
    def _():
        pltpu.sync_copy(cnt, cntb)
        pltpu.sync_copy(cntb, out_cnt.at[c, 0])


def _node_accum_body(xe, eidx, vidx, z_node, out, idxe, idxv, buf, acc, sem):
    c = lax.axis_index("c")
    s = lax.axis_index("s")
    wid = c * NS + s
    pltpu.sync_copy(z_node, acc.at[pl.ds(s * N_ROWS_PER_TILE, N_ROWS_PER_TILE)])
    pltpu.sync_copy(eidx.at[wid], idxe)
    pltpu.sync_copy(vidx.at[wid], idxv)
    plsc.subcore_barrier()

    def body(j, carry):
        pltpu.async_copy(xe.at[idxe.at[j]], buf, sem).wait()
        pltpu.sync_copy(buf, acc.at[idxv.at[j]], add=True)
        return carry

    lax.fori_loop(0, CPT, body, 0)
    plsc.subcore_barrier()
    pltpu.sync_copy(acc.at[pl.ds(s * N_ROWS_PER_TILE, N_ROWS_PER_TILE)],
                    out.at[c, pl.ds(s * N_ROWS_PER_TILE, N_ROWS_PER_TILE)])


def _edge_mean_body(esum_ref, cnt_ref, xe_ref):
    s = esum_ref[0] + esum_ref[1]
    cnt = cnt_ref[0] + cnt_ref[1]
    xe_ref[...] = s / jnp.maximum(cnt, 1.0)[:, None]


def _project_body(x_ref, xv_ref, w_ref, scale_ref, o_ref):
    xn = scale_ref[0, 0] * x_ref[...] + xv_ref[0] + xv_ref[1]
    o_ref[...] = lax.dot_general(
        xn, w_ref[...], (((1,), (1,)), ((), ())),
        preferred_element_type=jnp.float32)


def kernel(X, vertex, edges, W, eps):
    pad = VP - N_PAIRS
    v_gather = jnp.concatenate(
        [vertex, jnp.zeros((pad,), jnp.int32)]).reshape(NW, CPT, CHUNK)
    v_scatter = jnp.concatenate(
        [vertex, jnp.full((pad,), N_NODES, jnp.int32)]).reshape(NW, CPT, CHUNK)
    e_idx = jnp.concatenate(
        [edges, jnp.full((pad,), N_HEDGES, jnp.int32)]).reshape(NW, CPT, CHUNK)
    z_edge = jnp.zeros((E_ROWS_PER_TILE, D), jnp.float32)
    z_node = jnp.zeros((N_ROWS_PER_TILE, D), jnp.float32)

    ka = pl.kernel(
        _edge_accum_body,
        out_type=(jax.ShapeDtypeStruct((NC, EPAD, D), jnp.float32),
                  jax.ShapeDtypeStruct((NC, 1, EPAD), jnp.float32)),
        mesh=_sc_mesh(),
        scratch_types=[
            pltpu.VMEM((CPT, CHUNK), jnp.int32),
            pltpu.VMEM((CPT, CHUNK), jnp.int32),
            pltpu.VMEM((CHUNK, D), jnp.float32),
            pltpu.VMEM((CHUNK,), jnp.float32),
            pltpu.VMEM((E_ROWS_PER_TILE,), jnp.float32),
            pltpu.VMEM((EPAD,), jnp.float32),
            pltpu.VMEM_SHARED((EPAD, D), jnp.float32),
            pltpu.VMEM_SHARED((EPAD,), jnp.float32),
            pltpu.SemaphoreType.DMA,
        ],
    )
    esum, ecnt = ka(X, v_gather, e_idx, z_edge)

    blk = 640
    xe = pl.pallas_call(
        _edge_mean_body,
        grid=(EPAD // blk,),
        in_specs=[
            pl.BlockSpec((NC, blk, D), lambda i: (0, i, 0)),
            pl.BlockSpec((NC, blk), lambda i: (0, i)),
        ],
        out_specs=pl.BlockSpec((blk, D), lambda i: (i, 0)),
        out_shape=jax.ShapeDtypeStruct((EPAD, D), jnp.float32),
    )(esum, ecnt.reshape(NC, EPAD))

    kc = pl.kernel(
        _node_accum_body,
        out_type=jax.ShapeDtypeStruct((NC, NPAD, D), jnp.float32),
        mesh=_sc_mesh(),
        scratch_types=[
            pltpu.VMEM((CPT, CHUNK), jnp.int32),
            pltpu.VMEM((CPT, CHUNK), jnp.int32),
            pltpu.VMEM((CHUNK, D), jnp.float32),
            pltpu.VMEM_SHARED((NPAD, D), jnp.float32),
            pltpu.SemaphoreType.DMA,
        ],
    )
    xv = kc(xe, e_idx, v_scatter, z_node)

    scale = jnp.reshape(1.0 + eps[0], (1, 1))
    rows_blk = 1000
    out = pl.pallas_call(
        _project_body,
        grid=(N_NODES // rows_blk,),
        in_specs=[
            pl.BlockSpec((rows_blk, D), lambda i: (i, 0)),
            pl.BlockSpec((NC, rows_blk, D), lambda i: (0, i, 0)),
            pl.BlockSpec((D, D), lambda i: (0, 0)),
            pl.BlockSpec(memory_space=pltpu.SMEM),
        ],
        out_specs=pl.BlockSpec((rows_blk, D), lambda i: (i, 0)),
        out_shape=jax.ShapeDtypeStruct((N_NODES, D), jnp.float32),
    )(X, xv, W, scale)
    return out

# --- scband reference (transcript-rebuilt; emitter-appended) ---
"""Pipeline reference for scband-shy-layer-47278999994509 (READ-ONLY COPY).

The authoritative reference and input builder live on the scoring server;
editing this copy changes nothing except your own understanding.
"""

import jax, jax.numpy as jnp
import numpy as np

N_NODES = 10000
N_PAIRS = 320000
N_HEDGES = 5000
D_IN = 128
D_OUT = 128


def setup_inputs(seed: int = 0) -> dict:
    key = jax.random.key(seed)
    k1, k2, k3, k4 = jax.random.split(key, 4)
    X = jax.random.normal(k1, (N_NODES, D_IN), dtype=jnp.float32)
    vertex = jax.random.randint(k2, (N_PAIRS,), 0, N_NODES, dtype=jnp.int32)
    edges = jax.random.randint(k3, (N_PAIRS,), 0, N_HEDGES, dtype=jnp.int32)
    # Learned parameters: linear weight (out, in) like nn.Linear, and UniGIN eps
    stdv = (6.0 / (D_IN + D_OUT)) ** 0.5
    W = jax.random.uniform(k4, (D_OUT, D_IN), minval=-stdv, maxval=stdv, dtype=jnp.float32)
    eps = jnp.array([0.1], dtype=jnp.float32)
    return {"X": X, "vertex": vertex, "edges": edges, "W": W, "eps": eps}


def reference(X, vertex, edges, W, eps):
    # UniGIN-style hypergraph message passing (SHyLayer):
    # node -> hyperedge mean aggregation, hyperedge -> node sum aggregation,
    # learnable eps self-loop, then linear projection.
    N = X.shape[0]
    Xve = X[vertex]  # gather node features per incidence pair
    edge_sum = jax.ops.segment_sum(Xve, edges, num_segments=N_HEDGES)
    edge_cnt = jax.ops.segment_sum(jnp.ones((Xve.shape[0],), dtype=X.dtype), edges, num_segments=N_HEDGES)
    Xe = edge_sum / jnp.maximum(edge_cnt, 1.0)[:, None]  # scatter-mean over hyperedges
    Xev = Xe[edges]  # gather hyperedge features back to pairs
    Xv = jax.ops.segment_sum(Xev, vertex, num_segments=N)  # scatter-sum to nodes
    Xnew = (1.0 + eps[0]) * X + Xv
    return Xnew @ W.T

if __name__ == "__main__":
    import jax
    _d = setup_inputs()
    print(jax.jit(kernel)(*tuple(_d.values())))

</pallas_src>

<mosaic_0001>
#map = affine_map<(d0, d1) -> (0, 0)>
#map1 = affine_map<(d0, d1) -> (0, 0, 0)>
module attributes {stable_mosaic.version = 14 : i64} {
  func.func @_node_accum_body(%arg0: i32, %arg1: i32, %arg2: memref<5120x128xf32, #tpu.memory_space<hbm>>, %arg3: memref<32x80x128xi32, #tpu.memory_space<hbm>>, %arg4: memref<32x80x128xi32, #tpu.memory_space<hbm>>, %arg5: memref<640x128xf32, #tpu.memory_space<hbm>>, %arg6: memref<2x10240x128xf32, #tpu.memory_space<hbm>>, %arg7: memref<80x128xi32, #tpu.memory_space<vmem>>, %arg8: memref<80x128xi32, #tpu.memory_space<vmem>>, %arg9: memref<128x128xf32, #tpu.memory_space<vmem>>, %arg10: memref<10240x128xf32, #tpu.memory_space<vmem_shared>>, %arg11: memref<!tpu.dma_semaphore, #tpu.memory_space<semaphore_mem>>) attributes {dimension_semantics = [#tpu.dimension_semantics<core_parallel>, #tpu.dimension_semantics<subcore_parallel>], iteration_bounds = array<i64: 2, 16>, scalar_prefetch = 0 : i64, scratch_operands = 5 : i64, tpu.core_type = #tpu.core_type<sc_vector_subcore>, window_params = [{transform_indices = #map}, {transform_indices = #map1}, {transform_indices = #map1}, {transform_indices = #map}, {transform_indices = #map1}]} {
    %mul3A = arith.constant 16 : i32
    %mul3A_0 = arith.muli %arg0, %mul3A : i32
    %add3A = arith.addi %mul3A_0, %arg1 : i32
    %mul3A_1 = arith.constant 640 : i32
    %mul3A_2 = arith.muli %arg1, %mul3A_1 : i32
    "tpu.region"() ({
      %run_scoped3A = tpu.sem_alloc : memref<!tpu.dma_semaphore, #tpu.memory_space<semaphore_mem>>
      %dma_start3A = arith.constant 0 : i32
      %dma_start3A_13 = tpu.memref_slice %arg10[%mul3A_2, %dma_start3A] : memref<10240x128xf32, #tpu.memory_space<vmem_shared>> -> memref<640x128xf32, #tpu.memory_space<vmem_shared>>
      tpu.enqueue_dma source(%arg5 : memref<640x128xf32, #tpu.memory_space<hbm>>) target(%dma_start3A_13 : memref<640x128xf32, #tpu.memory_space<vmem_shared>>) target_semaphore(%run_scoped3A : memref<!tpu.dma_semaphore, #tpu.memory_space<semaphore_mem>>)
      %dma_wait3A = arith.constant 0 : i32
      %dma_wait3A_14 = tpu.memref_slice %arg10[%mul3A_2, %dma_wait3A] : memref<10240x128xf32, #tpu.memory_space<vmem_shared>> -> memref<640x128xf32, #tpu.memory_space<vmem_shared>>
      tpu.wait_dma2 semaphore(%run_scoped3A : memref<!tpu.dma_semaphore, #tpu.memory_space<semaphore_mem>>) src(%arg5 : memref<640x128xf32, #tpu.memory_space<hbm>>) dst(%dma_wait3A_14 : memref<640x128xf32, #tpu.memory_space<vmem_shared>>)
      tpu.yield
    }) : () -> ()
    "tpu.region"() ({
      %run_scoped3A = tpu.sem_alloc : memref<!tpu.dma_semaphore, #tpu.memory_space<semaphore_mem>>
      %dma_start3A = arith.constant 0 : i32
      %dma_start3A_13 = arith.constant 0 : i32
      %dma_start3A_14 = tpu.memref_slice %arg3[%add3A, %dma_start3A, %dma_start3A_13] : memref<32x80x128xi32, #tpu.memory_space<hbm>> -> memref<1x80x128xi32, #tpu.memory_space<hbm>>
      %dma_start3A_15 = tpu.memref_squeeze %dma_start3A_14 : memref<1x80x128xi32, #tpu.memory_space<hbm>> -> memref<80x128xi32, #tpu.memory_space<hbm>>
      %dma_start3A_16 = arith.constant 0 : i32
      %dma_start3A_17 = arith.constant 0 : i32
      %dma_start3A_18 = tpu.memref_slice %arg3[%add3A, %dma_start3A_16, %dma_start3A_17] : memref<32x80x128xi32, #tpu.memory_space<hbm>> -> memref<1x80x128xi32, #tpu.memory_space<hbm>>
      %dma_start3A_19 = tpu.memref_squeeze %dma_start3A_18 : memref<1x80x128xi32, #tpu.memory_space<hbm>> -> memref<80x128xi32, #tpu.memory_space<hbm>>
      tpu.enqueue_dma source(%dma_start3A_19 : memref<80x128xi32, #tpu.memory_space<hbm>>) target(%arg7 : memref<80x128xi32, #tpu.memory_space<vmem>>) target_semaphore(%run_scoped3A : memref<!tpu.dma_semaphore, #tpu.memory_space<semaphore_mem>>)
      %dma_wait3A = arith.constant 0 : i32
      %dma_wait3A_20 = arith.constant 0 : i32
      %dma_wait3A_21 = tpu.memref_slice %arg3[%add3A, %dma_wait3A, %dma_wait3A_20] : memref<32x80x128xi32, #tpu.memory_space<hbm>> -> memref<1x80x128xi32, #tpu.memory_space<hbm>>
      %dma_wait3A_22 = tpu.memref_squeeze %dma_wait3A_21 : memref<1x80x128xi32, #tpu.memory_space<hbm>> -> memref<80x128xi32, #tpu.memory_space<hbm>>
      %dma_wait3A_23 = arith.constant 0 : i32
      %dma_wait3A_24 = arith.constant 0 : i32
      %dma_wait3A_25 = tpu.memref_slice %arg3[%add3A, %dma_wait3A_23, %dma_wait3A_24] : memref<32x80x128xi32, #tpu.memory_space<hbm>> -> memref<1x80x128xi32, #tpu.memory_space<hbm>>
      %dma_wait3A_26 = tpu.memref_squeeze %dma_wait3A_25 : memref<1x80x128xi32, #tpu.memory_space<hbm>> -> memref<80x128xi32, #tpu.memory_space<hbm>>
      tpu.wait_dma2 semaphore(%run_scoped3A : memref<!tpu.dma_semaphore, #tpu.memory_space<semaphore_mem>>) src(%dma_wait3A_26 : memref<80x128xi32, #tpu.memory_space<hbm>>) dst(%arg7 : memref<80x128xi32, #tpu.memory_space<vmem>>)
      tpu.yield
    }) : () -> ()
    "tpu.region"() ({
      %run_scoped3A = tpu.sem_alloc : memref<!tpu.dma_semaphore, #tpu.memory_space<semaphore_mem>>
      %dma_start3A = arith.constant 0 : i32
      %dma_start3A_13 = arith.constant 0 : i32
      %dma_start3A_14 = tpu.memref_slice %arg4[%add3A, %dma_start3A, %dma_start3A_13] : memref<32x80x128xi32, #tpu.memory_space<hbm>> -> memref<1x80x128xi32, #tpu.memory_space<hbm>>
      %dma_start3A_15 = tpu.memref_squeeze %dma_start3A_14 : memref<1x80x128xi32, #tpu.memory_space<hbm>> -> memref<80x128xi32, #tpu.memory_space<hbm>>
      %dma_start3A_16 = arith.constant 0 : i32
      %dma_start3A_17 = arith.constant 0 : i32
      %dma_start3A_18 = tpu.memref_slice %arg4[%add3A, %dma_start3A_16, %dma_start3A_17] : memref<32x80x128xi32, #tpu.memory_space<hbm>> -> memref<1x80x128xi32, #tpu.memory_space<hbm>>
      %dma_start3A_19 = tpu.memref_squeeze %dma_start3A_18 : memref<1x80x128xi32, #tpu.memory_space<hbm>> -> memref<80x128xi32, #tpu.memory_space<hbm>>
      tpu.enqueue_dma source(%dma_start3A_19 : memref<80x128xi32, #tpu.memory_space<hbm>>) target(%arg8 : memref<80x128xi32, #tpu.memory_space<vmem>>) target_semaphore(%run_scoped3A : memref<!tpu.dma_semaphore, #tpu.memory_space<semaphore_mem>>)
      %dma_wait3A = arith.constant 0 : i32
      %dma_wait3A_20 = arith.constant 0 : i32
      %dma_wait3A_21 = tpu.memref_slice %arg4[%add3A, %dma_wait3A, %dma_wait3A_20] : memref<32x80x128xi32, #tpu.memory_space<hbm>> -> memref<1x80x128xi32, #tpu.memory_space<hbm>>
      %dma_wait3A_22 = tpu.memref_squeeze %dma_wait3A_21 : memref<1x80x128xi32, #tpu.memory_space<hbm>> -> memref<80x128xi32, #tpu.memory_space<hbm>>
      %dma_wait3A_23 = arith.constant 0 : i32
      %dma_wait3A_24 = arith.constant 0 : i32
      %dma_wait3A_25 = tpu.memref_slice %arg4[%add3A, %dma_wait3A_23, %dma_wait3A_24] : memref<32x80x128xi32, #tpu.memory_space<hbm>> -> memref<1x80x128xi32, #tpu.memory_space<hbm>>
      %dma_wait3A_26 = tpu.memref_squeeze %dma_wait3A_25 : memref<1x80x128xi32, #tpu.memory_space<hbm>> -> memref<80x128xi32, #tpu.memory_space<hbm>>
      tpu.wait_dma2 semaphore(%run_scoped3A : memref<!tpu.dma_semaphore, #tpu.memory_space<semaphore_mem>>) src(%dma_wait3A_26 : memref<80x128xi32, #tpu.memory_space<hbm>>) dst(%arg8 : memref<80x128xi32, #tpu.memory_space<vmem>>)
      tpu.yield
    }) : () -> ()
    %barrier3A = arith.constant 0 : index
    tpu.barrier barrier_id(%barrier3A)
    %scan3A = arith.constant 0 : i32
    %scan3A_3 = arith.constant 0 : i32
    %scan3A_4 = arith.constant 80 : i32
    %scan3A_5 = arith.addi %scan3A_3, %scan3A_4 : i32
    %scan3A_6 = arith.constant 1 : i32
    scf.for %scan3A_13 = %scan3A_3 to %scan3A_5 step %scan3A_6  : i32 {
      %dma_start3A = arith.constant 0 : i32
      %dma_start3A_14 = tpu.memref_slice %arg7[%scan3A_13, %dma_start3A] : memref<80x128xi32, #tpu.memory_space<vmem>> -> memref<1x128xi32, #tpu.memory_space<vmem>>
      %dma_start3A_15 = tpu.memref_squeeze %dma_start3A_14 : memref<1x128xi32, #tpu.memory_space<vmem>> -> memref<128xi32, #tpu.memory_space<vmem>>
      %dma_start3A_16 = arith.constant 0 : i32
      %dma_start3A_17 = arith.constant 0 : i32
      %dma_start3A_18 = tpu.memref_slice %arg2[%dma_start3A_16, %dma_start3A_17] : memref<5120x128xf32, #tpu.memory_space<hbm>> -> memref<5120x128xf32, #tpu.memory_space<hbm>>
      tpu.enqueue_indirect_dma source(%dma_start3A_18 : memref<5120x128xf32, #tpu.memory_space<hbm>>) target(%arg9 : memref<128x128xf32, #tpu.memory_space<vmem>>) offsets(%dma_start3A_15 : memref<128xi32, #tpu.memory_space<vmem>>) semaphore(%arg11 : memref<!tpu.dma_semaphore, #tpu.memory_space<semaphore_mem>>)
      %dma_wait3A = arith.constant 0 : i32
      %dma_wait3A_19 = tpu.memref_slice %arg7[%scan3A_13, %dma_wait3A] : memref<80x128xi32, #tpu.memory_space<vmem>> -> memref<1x128xi32, #tpu.memory_space<vmem>>
      %dma_wait3A_20 = tpu.memref_squeeze %dma_wait3A_19 : memref<1x128xi32, #tpu.memory_space<vmem>> -> memref<128xi32, #tpu.memory_space<vmem>>
      %dma_wait3A_21 = arith.constant 0 : i32
      %dma_wait3A_22 = arith.constant 0 : i32
      %dma_wait3A_23 = tpu.memref_slice %arg2[%dma_wait3A_21, %dma_wait3A_22] : memref<5120x128xf32, #tpu.memory_space<hbm>> -> memref<5120x128xf32, #tpu.memory_space<hbm>>
      tpu.wait_indirect_dma semaphore(%arg11 : memref<!tpu.dma_semaphore, #tpu.memory_space<semaphore_mem>>) src(%dma_wait3A_23 : memref<5120x128xf32, #tpu.memory_space<hbm>>) dst(%arg9 : memref<128x128xf32, #tpu.memory_space<vmem>>)
      "tpu.region"() ({
        %run_scoped3A = tpu.sem_alloc : memref<!tpu.dma_semaphore, #tpu.memory_space<semaphore_mem>>
        %dma_start3A_24 = arith.constant 0 : i32
        %dma_start3A_25 = tpu.memref_slice %arg8[%scan3A_13, %dma_start3A_24] : memref<80x128xi32, #tpu.memory_space<vmem>> -> memref<1x128xi32, #tpu.memory_space<vmem>>
        %dma_start3A_26 = tpu.memref_squeeze %dma_start3A_25 : memref<1x128xi32, #tpu.memory_space<vmem>> -> memref<128xi32, #tpu.memory_space<vmem>>
        %dma_start3A_27 = arith.constant 0 : i32
        %dma_start3A_28 = arith.constant 0 : i32
        %dma_start3A_29 = tpu.memref_slice %arg10[%dma_start3A_27, %dma_start3A_28] : memref<10240x128xf32, #tpu.memory_space<vmem_shared>> -> memref<10240x128xf32, #tpu.memory_space<vmem_shared>>
        tpu.enqueue_indirect_dma source(%arg9 : memref<128x128xf32, #tpu.memory_space<vmem>>) target(%dma_start3A_29 : memref<10240x128xf32, #tpu.memory_space<vmem_shared>>) offsets(%dma_start3A_26 : memref<128xi32, #tpu.memory_space<vmem>>) semaphore(%run_scoped3A : memref<!tpu.dma_semaphore, #tpu.memory_space<semaphore_mem>>) {add = true}
        %dma_wait3A_30 = arith.constant 0 : i32
        %dma_wait3A_31 = tpu.memref_slice %arg8[%scan3A_13, %dma_wait3A_30] : memref<80x128xi32, #tpu.memory_space<vmem>> -> memref<1x128xi32, #tpu.memory_space<vmem>>
        %dma_wait3A_32 = tpu.memref_squeeze %dma_wait3A_31 : memref<1x128xi32, #tpu.memory_space<vmem>> -> memref<128xi32, #tpu.memory_space<vmem>>
        %dma_wait3A_33 = arith.constant 0 : i32
        %dma_wait3A_34 = arith.constant 0 : i32
        %dma_wait3A_35 = tpu.memref_slice %arg10[%dma_wait3A_33, %dma_wait3A_34] : memref<10240x128xf32, #tpu.memory_space<vmem_shared>> -> memref<10240x128xf32, #tpu.memory_space<vmem_shared>>
        tpu.wait_indirect_dma semaphore(%run_scoped3A : memref<!tpu.dma_semaphore, #tpu.memory_space<semaphore_mem>>) src(%arg9 : memref<128x128xf32, #tpu.memory_space<vmem>>) dst(%dma_wait3A_35 : memref<10240x128xf32, #tpu.memory_space<vmem_shared>>)
        tpu.yield
      }) : () -> ()
    }
    %scan3A_7 = arith.constant 80 : i32
    %barrier3A_8 = arith.constant 0 : index
    tpu.barrier barrier_id(%barrier3A_8)
    %mul3A_9 = arith.constant 640 : i32
    %mul3A_10 = arith.muli %arg1, %mul3A_9 : i32
    %mul3A_11 = arith.constant 640 : i32
    %mul3A_12 = arith.muli %arg1, %mul3A_11 : i32
    "tpu.region"() ({
      %run_scoped3A = tpu.sem_alloc : memref<!tpu.dma_semaphore, #tpu.memory_space<semaphore_mem>>
      %dma_start3A = arith.constant 0 : i32
      %dma_start3A_13 = tpu.memref_slice %arg6[%arg0, %mul3A_12, %dma_start3A] : memref<2x10240x128xf32, #tpu.memory_space<hbm>> -> memref<1x640x128xf32, #tpu.memory_space<hbm>>
      %dma_start3A_14 = tpu.memref_squeeze %dma_start3A_13 : memref<1x640x128xf32, #tpu.memory_space<hbm>> -> memref<640x128xf32, #tpu.memory_space<hbm>>
      %dma_start3A_15 = arith.constant 0 : i32
      %dma_start3A_16 = tpu.memref_slice %arg10[%mul3A_10, %dma_start3A_15] : memref<10240x128xf32, #tpu.memory_space<vmem_shared>> -> memref<640x128xf32, #tpu.memory_space<vmem_shared>>
      tpu.enqueue_dma source(%dma_start3A_16 : memref<640x128xf32, #tpu.memory_space<vmem_shared>>) target(%dma_start3A_14 : memref<640x128xf32, #tpu.memory_space<hbm>>) target_semaphore(%run_scoped3A : memref<!tpu.dma_semaphore, #tpu.memory_space<semaphore_mem>>)
      %dma_wait3A = arith.constant 0 : i32
      %dma_wait3A_17 = tpu.memref_slice %arg6[%arg0, %mul3A_12, %dma_wait3A] : memref<2x10240x128xf32, #tpu.memory_space<hbm>> -> memref<1x640x128xf32, #tpu.memory_space<hbm>>
      %dma_wait3A_18 = tpu.memref_squeeze %dma_wait3A_17 : memref<1x640x128xf32, #tpu.memory_space<hbm>> -> memref<640x128xf32, #tpu.memory_space<hbm>>
      %dma_wait3A_19 = arith.constant 0 : i32
      %dma_wait3A_20 = tpu.memref_slice %arg10[%mul3A_10, %dma_wait3A_19] : memref<10240x128xf32, #tpu.memory_space<vmem_shared>> -> memref<640x128xf32, #tpu.memory_space<vmem_shared>>
      tpu.wait_dma2 semaphore(%run_scoped3A : memref<!tpu.dma_semaphore, #tpu.memory_space<semaphore_mem>>) src(%dma_wait3A_20 : memref<640x128xf32, #tpu.memory_space<vmem_shared>>) dst(%dma_wait3A_18 : memref<640x128xf32, #tpu.memory_space<hbm>>)
      tpu.yield
    }) : () -> ()
    return
  }
}

#map = affine_map<(d0, d1) -> (0, 0)>
#map1 = affine_map<(d0, d1) -> (0, 0, 0)>
module attributes {stable_mosaic.version = 14 : i64} {
  func.func @_edge_accum_body(%arg0: i32, %arg1: i32, %arg2: memref<10000x128xf32, #tpu.memory_space<hbm>>, %arg3: memref<32x80x128xi32, #tpu.memory_space<hbm>>, %arg4: memref<32x80x128xi32, #tpu.memory_space<hbm>>, %arg5: memref<320x128xf32, #tpu.memory_space<hbm>>, %arg6: memref<2x5120x128xf32, #tpu.memory_space<hbm>>, %arg7: memref<2x1x5120xf32, #tpu.memory_space<hbm>>, %arg8: memref<80x128xi32, #tpu.memory_space<vmem>>, %arg9: memref<80x128xi32, #tpu.memory_space<vmem>>, %arg10: memref<128x128xf32, #tpu.memory_space<vmem>>, %arg11: memref<128xf32, #tpu.memory_space<vmem>>, %arg12: memref<320xf32, #tpu.memory_space<vmem>>, %arg13: memref<5120xf32, #tpu.memory_space<vmem>>, %arg14: memref<5120x128xf32, #tpu.memory_space<vmem_shared>>, %arg15: memref<5120xf32, #tpu.memory_space<vmem_shared>>, %arg16: memref<!tpu.dma_semaphore, #tpu.memory_space<semaphore_mem>>) attributes {dimension_semantics = [#tpu.dimension_semantics<core_parallel>, #tpu.dimension_semantics<subcore_parallel>], iteration_bounds = array<i64: 2, 16>, scalar_prefetch = 0 : i64, scratch_operands = 9 : i64, tpu.core_type = #tpu.core_type<sc_vector_subcore>, window_params = [{transform_indices = #map}, {transform_indices = #map1}, {transform_indices = #map1}, {transform_indices = #map}, {transform_indices = #map1}, {transform_indices = #map1}]} {
    %mul3A = arith.constant 16 : i32
    %mul3A_0 = arith.muli %arg0, %mul3A : i32
    %add3A = arith.addi %mul3A_0, %arg1 : i32
    %mul3A_1 = arith.constant 320 : i32
    %mul3A_2 = arith.muli %arg1, %mul3A_1 : i32
    "tpu.region"() ({
      %run_scoped3A = tpu.sem_alloc : memref<!tpu.dma_semaphore, #tpu.memory_space<semaphore_mem>>
      %dma_start3A = arith.constant 0 : i32
      %dma_start3A_29 = tpu.memref_slice %arg14[%mul3A_2, %dma_start3A] : memref<5120x128xf32, #tpu.memory_space<vmem_shared>> -> memref<320x128xf32, #tpu.memory_space<vmem_shared>>
      tpu.enqueue_dma source(%arg5 : memref<320x128xf32, #tpu.memory_space<hbm>>) target(%dma_start3A_29 : memref<320x128xf32, #tpu.memory_space<vmem_shared>>) target_semaphore(%run_scoped3A : memref<!tpu.dma_semaphore, #tpu.memory_space<semaphore_mem>>)
      %dma_wait3A = arith.constant 0 : i32
      %dma_wait3A_30 = tpu.memref_slice %arg14[%mul3A_2, %dma_wait3A] : memref<5120x128xf32, #tpu.memory_space<vmem_shared>> -> memref<320x128xf32, #tpu.memory_space<vmem_shared>>
      tpu.wait_dma2 semaphore(%run_scoped3A : memref<!tpu.dma_semaphore, #tpu.memory_space<semaphore_mem>>) src(%arg5 : memref<320x128xf32, #tpu.memory_space<hbm>>) dst(%dma_wait3A_30 : memref<320x128xf32, #tpu.memory_space<vmem_shared>>)
      tpu.yield
    }) : () -> ()
    %scan3A = arith.constant 0 : i32
    %scan3A_3 = arith.constant 0 : i32
    %scan3A_4 = arith.constant 20 : i32
    %scan3A_5 = arith.addi %scan3A_3, %scan3A_4 : i32
    %scan3A_6 = arith.constant 1 : i32
    scf.for %scan3A_29 = %scan3A_3 to %scan3A_5 step %scan3A_6  : i32 {
      %broadcast_in_dim3A = arith.constant 0.000000e+00 : f32
      %broadcast_in_dim3A_30 = vector.broadcast %broadcast_in_dim3A : f32 to vector<16xf32>
      %mul3A_31 = arith.constant 16 : i32
      %mul3A_32 = arith.muli %scan3A_29, %mul3A_31 : i32
      %swap3A = arith.index_cast %mul3A_32 : i32 to index
      %swap3A_33 = tpu.vector_load %arg12[%swap3A] {strides = array<i32>} : memref<320xf32, #tpu.memory_space<vmem>>, vector<16xf32>,
      %swap3A_34 = vector.shape_cast %swap3A_33 : vector<16xf32> to vector<16xf32>
      %swap3A_35 = vector.shape_cast %broadcast_in_dim3A_30 : vector<16xf32> to vector<16xf32>
      tpu.vector_store %arg12[%swap3A], %swap3A_35 {strides = array<i32>} : memref<320xf32, #tpu.memory_space<vmem>>, vector<16xf32>,
    }
    %scan3A_7 = arith.constant 20 : i32
    %mul3A_8 = arith.constant 320 : i32
    %mul3A_9 = arith.muli %arg1, %mul3A_8 : i32
    "tpu.region"() ({
      %run_scoped3A = tpu.sem_alloc : memref<!tpu.dma_semaphore, #tpu.memory_space<semaphore_mem>>
      %dma_start3A = tpu.memref_slice %arg15[%mul3A_9] : memref<5120xf32, #tpu.memory_space<vmem_shared>> -> memref<320xf32, #tpu.memory_space<vmem_shared>>
      %dma_start3A_29 = tpu.memref_slice %arg15[%mul3A_9] : memref<5120xf32, #tpu.memory_space<vmem_shared>> -> memref<320xf32, #tpu.memory_space<vmem_shared>>
      tpu.enqueue_dma source(%arg12 : memref<320xf32, #tpu.memory_space<vmem>>) target(%dma_start3A_29 : memref<320xf32, #tpu.memory_space<vmem_shared>>) target_semaphore(%run_scoped3A : memref<!tpu.dma_semaphore, #tpu.memory_space<semaphore_mem>>)
      %dma_wait3A = tpu.memref_slice %arg15[%mul3A_9] : memref<5120xf32, #tpu.memory_space<vmem_shared>> -> memref<320xf32, #tpu.memory_space<vmem_shared>>
      %dma_wait3A_30 = tpu.memref_slice %arg15[%mul3A_9] : memref<5120xf32, #tpu.memory_space<vmem_shared>> -> memref<320xf32, #tpu.memory_space<vmem_shared>>
      tpu.wait_dma2 semaphore(%run_scoped3A : memref<!tpu.dma_semaphore, #tpu.memory_space<semaphore_mem>>) src(%arg12 : memref<320xf32, #tpu.memory_space<vmem>>) dst(%dma_wait3A_30 : memref<320xf32, #tpu.memory_space<vmem_shared>>)
      tpu.yield
    }) : () -> ()
    %scan3A_10 = arith.constant 0 : i32
    %scan3A_11 = arith.constant 0 : i32
    %scan3A_12 = arith.constant 8 : i32
    %scan3A_13 = arith.addi %scan3A_11, %scan3A_12 : i32
    %scan3A_14 = arith.constant 1 : i32
    scf.for %scan3A_29 = %scan3A_11 to %scan3A_13 step %scan3A_14  : i32 {
      %broadcast_in_dim3A = arith.constant 1.000000e+00 : f32
      %broadcast_in_dim3A_30 = vector.broadcast %broadcast_in_dim3A : f32 to vector<16xf32>
      %mul3A_31 = arith.constant 16 : i32
      %mul3A_32 = arith.muli %scan3A_29, %mul3A_31 : i32
      %swap3A = arith.index_cast %mul3A_32 : i32 to index
      %swap3A_33 = tpu.vector_load %arg11[%swap3A] {strides = array<i32>} : memref<128xf32, #tpu.memory_space<vmem>>, vector<16xf32>,
      %swap3A_34 = vector.shape_cast %swap3A_33 : vector<16xf32> to vector<16xf32>
      %swap3A_35 = vector.shape_cast %broadcast_in_dim3A_30 : vector<16xf32> to vector<16xf32>
      tpu.vector_store %arg11[%swap3A], %swap3A_35 {strides = array<i32>} : memref<128xf32, #tpu.memory_space<vmem>>, vector<16xf32>,
    }
    %scan3A_15 = arith.constant 8 : i32
    "tpu.region"() ({
      %run_scoped3A = tpu.sem_alloc : memref<!tpu.dma_semaphore, #tpu.memory_space<semaphore_mem>>
      %dma_start3A = arith.constant 0 : i32
      %dma_start3A_29 = arith.constant 0 : i32
      %dma_start3A_30 = tpu.memref_slice %arg3[%add3A, %dma_start3A, %dma_start3A_29] : memref<32x80x128xi32, #tpu.memory_space<hbm>> -> memref<1x80x128xi32, #tpu.memory_space<hbm>>
      %dma_start3A_31 = tpu.memref_squeeze %dma_start3A_30 : memref<1x80x128xi32, #tpu.memory_space<hbm>> -> memref<80x128xi32, #tpu.memory_space<hbm>>
      %dma_start3A_32 = arith.constant 0 : i32
      %dma_start3A_33 = arith.constant 0 : i32
      %dma_start3A_34 = tpu.memref_slice %arg3[%add3A, %dma_start3A_32, %dma_start3A_33] : memref<32x80x128xi32, #tpu.memory_space<hbm>> -> memref<1x80x128xi32, #tpu.memory_space<hbm>>
      %dma_start3A_35 = tpu.memref_squeeze %dma_start3A_34 : memref<1x80x128xi32, #tpu.memory_space<hbm>> -> memref<80x128xi32, #tpu.memory_space<hbm>>
      tpu.enqueue_dma source(%dma_start3A_35 : memref<80x128xi32, #tpu.memory_space<hbm>>) target(%arg8 : memref<80x128xi32, #tpu.memory_space<vmem>>) target_semaphore(%run_scoped3A : memref<!tpu.dma_semaphore, #tpu.memory_space<semaphore_mem>>)
      %dma_wait3A = arith.constant 0 : i32
      %dma_wait3A_36 = arith.constant 0 : i32
      %dma_wait3A_37 = tpu.memref_slice %arg3[%add3A, %dma_wait3A, %dma_wait3A_36] : memref<32x80x128xi32, #tpu.memory_space<hbm>> -> memref<1x80x128xi32, #tpu.memory_space<hbm>>
      %dma_wait3A_38 = tpu.memref_squeeze %dma_wait3A_37 : memref<1x80x128xi32, #tpu.memory_space<hbm>> -> memref<80x128xi32, #tpu.memory_space<hbm>>
      %dma_wait3A_39 = arith.constant 0 : i32
      %dma_wait3A_40 = arith.constant 0 : i32
      %dma_wait3A_41 = tpu.memref_slice %arg3[%add3A, %dma_wait3A_39, %dma_wait3A_40] : memref<32x80x128xi32, #tpu.memory_space<hbm>> -> memref<1x80x128xi32, #tpu.memory_space<hbm>>
      %dma_wait3A_42 = tpu.memref_squeeze %dma_wait3A_41 : memref<1x80x128xi32, #tpu.memory_space<hbm>> -> memref<80x128xi32, #tpu.memory_space<hbm>>
      tpu.wait_dma2 semaphore(%run_scoped3A : memref<!tpu.dma_semaphore, #tpu.memory_space<semaphore_mem>>) src(%dma_wait3A_42 : memref<80x128xi32, #tpu.memory_space<hbm>>) dst(%arg8 : memref<80x128xi32, #tpu.memory_space<vmem>>)
      tpu.yield
    }) : () -> ()
    "tpu.region"() ({
      %run_scoped3A = tpu.sem_alloc : memref<!tpu.dma_semaphore, #tpu.memory_space<semaphore_mem>>
      %dma_start3A = arith.constant 0 : i32
      %dma_start3A_29 = arith.constant 0 : i32
      %dma_start3A_30 = tpu.memref_slice %arg4[%add3A, %dma_start3A, %dma_start3A_29] : memref<32x80x128xi32, #tpu.memory_space<hbm>> -> memref<1x80x128xi32, #tpu.memory_space<hbm>>
      %dma_start3A_31 = tpu.memref_squeeze %dma_start3A_30 : memref<1x80x128xi32, #tpu.memory_space<hbm>> -> memref<80x128xi32, #tpu.memory_space<hbm>>
      %dma_start3A_32 = arith.constant 0 : i32
      %dma_start3A_33 = arith.constant 0 : i32
      %dma_start3A_34 = tpu.memref_slice %arg4[%add3A, %dma_start3A_32, %dma_start3A_33] : memref<32x80x128xi32, #tpu.memory_space<hbm>> -> memref<1x80x128xi32, #tpu.memory_space<hbm>>
      %dma_start3A_35 = tpu.memref_squeeze %dma_start3A_34 : memref<1x80x128xi32, #tpu.memory_space<hbm>> -> memref<80x128xi32, #tpu.memory_space<hbm>>
      tpu.enqueue_dma source(%dma_start3A_35 : memref<80x128xi32, #tpu.memory_space<hbm>>) target(%arg9 : memref<80x128xi32, #tpu.memory_space<vmem>>) target_semaphore(%run_scoped3A : memref<!tpu.dma_semaphore, #tpu.memory_space<semaphore_mem>>)
      %dma_wait3A = arith.constant 0 : i32
      %dma_wait3A_36 = arith.constant 0 : i32
      %dma_wait3A_37 = tpu.memref_slice %arg4[%add3A, %dma_wait3A, %dma_wait3A_36] : memref<32x80x128xi32, #tpu.memory_space<hbm>> -> memref<1x80x128xi32, #tpu.memory_space<hbm>>
      %dma_wait3A_38 = tpu.memref_squeeze %dma_wait3A_37 : memref<1x80x128xi32, #tpu.memory_space<hbm>> -> memref<80x128xi32, #tpu.memory_space<hbm>>
      %dma_wait3A_39 = arith.constant 0 : i32
      %dma_wait3A_40 = arith.constant 0 : i32
      %dma_wait3A_41 = tpu.memref_slice %arg4[%add3A, %dma_wait3A_39, %dma_wait3A_40] : memref<32x80x128xi32, #tpu.memory_space<hbm>> -> memref<1x80x128xi32, #tpu.memory_space<hbm>>
      %dma_wait3A_42 = tpu.memref_squeeze %dma_wait3A_41 : memref<1x80x128xi32, #tpu.memory_space<hbm>> -> memref<80x128xi32, #tpu.memory_space<hbm>>
      tpu.wait_dma2 semaphore(%run_scoped3A : memref<!tpu.dma_semaphore, #tpu.memory_space<semaphore_mem>>) src(%dma_wait3A_42 : memref<80x128xi32, #tpu.memory_space<hbm>>) dst(%arg9 : memref<80x128xi32, #tpu.memory_space<vmem>>)
      tpu.yield
    }) : () -> ()
    %barrier3A = arith.constant 0 : index
    tpu.barrier barrier_id(%barrier3A)
    %scan3A_16 = arith.constant 0 : i32
    %scan3A_17 = arith.constant 0 : i32
    %scan3A_18 = arith.constant 80 : i32
    %scan3A_19 = arith.addi %scan3A_17, %scan3A_18 : i32
    %scan3A_20 = arith.constant 1 : i32
    scf.for %scan3A_29 = %scan3A_17 to %scan3A_19 step %scan3A_20  : i32 {
      %dma_start3A = arith.constant 0 : i32
      %dma_start3A_30 = tpu.memref_slice %arg8[%scan3A_29, %dma_start3A] : memref<80x128xi32, #tpu.memory_space<vmem>> -> memref<1x128xi32, #tpu.memory_space<vmem>>
      %dma_start3A_31 = tpu.memref_squeeze %dma_start3A_30 : memref<1x128xi32, #tpu.memory_space<vmem>> -> memref<128xi32, #tpu.memory_space<vmem>>
      %dma_start3A_32 = arith.constant 0 : i32
      %dma_start3A_33 = arith.constant 0 : i32
      %dma_start3A_34 = tpu.memref_slice %arg2[%dma_start3A_32, %dma_start3A_33] : memref<10000x128xf32, #tpu.memory_space<hbm>> -> memref<10000x128xf32, #tpu.memory_space<hbm>>
      tpu.enqueue_indirect_dma source(%dma_start3A_34 : memref<10000x128xf32, #tpu.memory_space<hbm>>) target(%arg10 : memref<128x128xf32, #tpu.memory_space<vmem>>) offsets(%dma_start3A_31 : memref<128xi32, #tpu.memory_space<vmem>>) semaphore(%arg16 : memref<!tpu.dma_semaphore, #tpu.memory_space<semaphore_mem>>)
      %dma_wait3A = arith.constant 0 : i32
      %dma_wait3A_35 = tpu.memref_slice %arg8[%scan3A_29, %dma_wait3A] : memref<80x128xi32, #tpu.memory_space<vmem>> -> memref<1x128xi32, #tpu.memory_space<vmem>>
      %dma_wait3A_36 = tpu.memref_squeeze %dma_wait3A_35 : memref<1x128xi32, #tpu.memory_space<vmem>> -> memref<128xi32, #tpu.memory_space<vmem>>
      %dma_wait3A_37 = arith.constant 0 : i32
      %dma_wait3A_38 = arith.constant 0 : i32
      %dma_wait3A_39 = tpu.memref_slice %arg2[%dma_wait3A_37, %dma_wait3A_38] : memref<10000x128xf32, #tpu.memory_space<hbm>> -> memref<10000x128xf32, #tpu.memory_space<hbm>>
      tpu.wait_indirect_dma semaphore(%arg16 : memref<!tpu.dma_semaphore, #tpu.memory_space<semaphore_mem>>) src(%dma_wait3A_39 : memref<10000x128xf32, #tpu.memory_space<hbm>>) dst(%arg10 : memref<128x128xf32, #tpu.memory_space<vmem>>)
      "tpu.region"() ({
        %run_scoped3A = tpu.sem_alloc : memref<!tpu.dma_semaphore, #tpu.memory_space<semaphore_mem>>
        %dma_start3A_40 = arith.constant 0 : i32
        %dma_start3A_41 = tpu.memref_slice %arg9[%scan3A_29, %dma_start3A_40] : memref<80x128xi32, #tpu.memory_space<vmem>> -> memref<1x128xi32, #tpu.memory_space<vmem>>
        %dma_start3A_42 = tpu.memref_squeeze %dma_start3A_41 : memref<1x128xi32, #tpu.memory_space<vmem>> -> memref<128xi32, #tpu.memory_space<vmem>>
        %dma_start3A_43 = arith.constant 0 : i32
        %dma_start3A_44 = arith.constant 0 : i32
        %dma_start3A_45 = tpu.memref_slice %arg14[%dma_start3A_43, %dma_start3A_44] : memref<5120x128xf32, #tpu.memory_space<vmem_shared>> -> memref<5120x128xf32, #tpu.memory_space<vmem_shared>>
        tpu.enqueue_indirect_dma source(%arg10 : memref<128x128xf32, #tpu.memory_space<vmem>>) target(%dma_start3A_45 : memref<5120x128xf32, #tpu.memory_space<vmem_shared>>) offsets(%dma_start3A_42 : memref<128xi32, #tpu.memory_space<vmem>>) semaphore(%run_scoped3A : memref<!tpu.dma_semaphore, #tpu.memory_space<semaphore_mem>>) {add = true}
        %dma_wait3A_46 = arith.constant 0 : i32
        %dma_wait3A_47 = tpu.memref_slice %arg9[%scan3A_29, %dma_wait3A_46] : memref<80x128xi32, #tpu.memory_space<vmem>> -> memref<1x128xi32, #tpu.memory_space<vmem>>
        %dma_wait3A_48 = tpu.memref_squeeze %dma_wait3A_47 : memref<1x128xi32, #tpu.memory_space<vmem>> -> memref<128xi32, #tpu.memory_space<vmem>>
        %dma_wait3A_49 = arith.constant 0 : i32
        %dma_wait3A_50 = arith.constant 0 : i32
        %dma_wait3A_51 = tpu.memref_slice %arg14[%dma_wait3A_49, %dma_wait3A_50] : memref<5120x128xf32, #tpu.memory_space<vmem_shared>> -> memref<5120x128xf32, #tpu.memory_space<vmem_shared>>
        tpu.wait_indirect_dma semaphore(%run_scoped3A : memref<!tpu.dma_semaphore, #tpu.memory_space<semaphore_mem>>) src(%arg10 : memref<128x128xf32, #tpu.memory_space<vmem>>) dst(%dma_wait3A_51 : memref<5120x128xf32, #tpu.memory_space<vmem_shared>>)
        tpu.yield
      }) : () -> ()
      "tpu.region"() ({
        %run_scoped3A = tpu.sem_alloc : memref<!tpu.dma_semaphore, #tpu.memory_space<semaphore_mem>>
        %dma_start3A_40 = arith.constant 0 : i32
        %dma_start3A_41 = tpu.memref_slice %arg9[%scan3A_29, %dma_start3A_40] : memref<80x128xi32, #tpu.memory_space<vmem>> -> memref<1x128xi32, #tpu.memory_space<vmem>>
        %dma_start3A_42 = tpu.memref_squeeze %dma_start3A_41 : memref<1x128xi32, #tpu.memory_space<vmem>> -> memref<128xi32, #tpu.memory_space<vmem>>
        %dma_start3A_43 = arith.constant 0 : i32
        %dma_start3A_44 = tpu.memref_slice %arg15[%dma_start3A_43] : memref<5120xf32, #tpu.memory_space<vmem_shared>> -> memref<5120xf32, #tpu.memory_space<vmem_shared>>
        tpu.enqueue_indirect_dma source(%arg11 : memref<128xf32, #tpu.memory_space<vmem>>) target(%dma_start3A_44 : memref<5120xf32, #tpu.memory_space<vmem_shared>>) offsets(%dma_start3A_42 : memref<128xi32, #tpu.memory_space<vmem>>) semaphore(%run_scoped3A : memref<!tpu.dma_semaphore, #tpu.memory_space<semaphore_mem>>) {add = true}
        %dma_wait3A_45 = arith.constant 0 : i32
        %dma_wait3A_46 = tpu.memref_slice %arg9[%scan3A_29, %dma_wait3A_45] : memref<80x128xi32, #tpu.memory_space<vmem>> -> memref<1x128xi32, #tpu.memory_space<vmem>>
        %dma_wait3A_47 = tpu.memref_squeeze %dma_wait3A_46 : memref<1x128xi32, #tpu.memory_space<vmem>> -> memref<128xi32, #tpu.memory_space<vmem>>
        %dma_wait3A_48 = arith.constant 0 : i32
        %dma_wait3A_49 = tpu.memref_slice %arg15[%dma_wait3A_48] : memref<5120xf32, #tpu.memory_space<vmem_shared>> -> memref<5120xf32, #tpu.memory_space<vmem_shared>>
        tpu.wait_indirect_dma semaphore(%run_scoped3A : memref<!tpu.dma_semaphore, #tpu.memory_space<semaphore_mem>>) src(%arg11 : memref<128xf32, #tpu.memory_space<vmem>>) dst(%dma_wait3A_49 : memref<5120xf32, #tpu.memory_space<vmem_shared>>)
        tpu.yield
      }) : () -> ()
    }
    %scan3A_21 = arith.constant 80 : i32
    %barrier3A_22 = arith.constant 0 : index
    tpu.barrier barrier_id(%barrier3A_22)
    %mul3A_23 = arith.constant 320 : i32
    %mul3A_24 = arith.muli %arg1, %mul3A_23 : i32
    %mul3A_25 = arith.constant 320 : i32
    %mul3A_26 = arith.muli %arg1, %mul3A_25 : i32
    "tpu.region"() ({
      %run_scoped3A = tpu.sem_alloc : memref<!tpu.dma_semaphore, #tpu.memory_space<semaphore_mem>>
      %dma_start3A = arith.constant 0 : i32
      %dma_start3A_29 = tpu.memref_slice %arg6[%arg0, %mul3A_26, %dma_start3A] : memref<2x5120x128xf32, #tpu.memory_space<hbm>> -> memref<1x320x128xf32, #tpu.memory_space<hbm>>
      %dma_start3A_30 = tpu.memref_squeeze %dma_start3A_29 : memref<1x320x128xf32, #tpu.memory_space<hbm>> -> memref<320x128xf32, #tpu.memory_space<hbm>>
      %dma_start3A_31 = arith.constant 0 : i32
      %dma_start3A_32 = tpu.memref_slice %arg14[%mul3A_24, %dma_start3A_31] : memref<5120x128xf32, #tpu.memory_space<vmem_shared>> -> memref<320x128xf32, #tpu.memory_space<vmem_shared>>
      tpu.enqueue_dma source(%dma_start3A_32 : memref<320x128xf32, #tpu.memory_space<vmem_shared>>) target(%dma_start3A_30 : memref<320x128xf32, #tpu.memory_space<hbm>>) target_semaphore(%run_scoped3A : memref<!tpu.dma_semaphore, #tpu.memory_space<semaphore_mem>>)
      %dma_wait3A = arith.constant 0 : i32
      %dma_wait3A_33 = tpu.memref_slice %arg6[%arg0, %mul3A_26, %dma_wait3A] : memref<2x5120x128xf32, #tpu.memory_space<hbm>> -> memref<1x320x128xf32, #tpu.memory_space<hbm>>
      %dma_wait3A_34 = tpu.memref_squeeze %dma_wait3A_33 : memref<1x320x128xf32, #tpu.memory_space<hbm>> -> memref<320x128xf32, #tpu.memory_space<hbm>>
      %dma_wait3A_35 = arith.constant 0 : i32
      %dma_wait3A_36 = tpu.memref_slice %arg14[%mul3A_24, %dma_wait3A_35] : memref<5120x128xf32, #tpu.memory_space<vmem_shared>> -> memref<320x128xf32, #tpu.memory_space<vmem_shared>>
      tpu.wait_dma2 semaphore(%run_scoped3A : memref<!tpu.dma_semaphore, #tpu.memory_space<semaphore_mem>>) src(%dma_wait3A_36 : memref<320x128xf32, #tpu.memory_space<vmem_shared>>) dst(%dma_wait3A_34 : memref<320x128xf32, #tpu.memory_space<hbm>>)
      tpu.yield
    }) : () -> ()
    %eq3A = arith.constant 0 : i32
    %eq3A_27 = arith.cmpi eq, %arg1, %eq3A : i32
    %convert_element_type3A = arith.extui %eq3A_27 : i1 to i32
    %cond3A = arith.constant 0 : i32
    %cond3A_28 = arith.cmpi ne, %convert_element_type3A, %cond3A : i32
    scf.if %cond3A_28 {
      "tpu.region"() ({
        %run_scoped3A_29 = tpu.sem_alloc : memref<!tpu.dma_semaphore, #tpu.memory_space<semaphore_mem>>
        tpu.enqueue_dma source(%arg15 : memref<5120xf32, #tpu.memory_space<vmem_shared>>) target(%arg13 : memref<5120xf32, #tpu.memory_space<vmem>>) target_semaphore(%run_scoped3A_29 : memref<!tpu.dma_semaphore, #tpu.memory_space<semaphore_mem>>)
        tpu.wait_dma2 semaphore(%run_scoped3A_29 : memref<!tpu.dma_semaphore, #tpu.memory_space<semaphore_mem>>) src(%arg15 : memref<5120xf32, #tpu.memory_space<vmem_shared>>) dst(%arg13 : memref<5120xf32, #tpu.memory_space<vmem>>)
        tpu.yield
      }) : () -> ()
      %run_scoped3A = arith.constant 0 : i32
      "tpu.region"() ({
        %run_scoped3A_29 = tpu.sem_alloc : memref<!tpu.dma_semaphore, #tpu.memory_space<semaphore_mem>>
        %dma_start3A = arith.constant 0 : i32
        %dma_start3A_30 = tpu.memref_slice %arg7[%arg0, %run_scoped3A, %dma_start3A] : memref<2x1x5120xf32, #tpu.memory_space<hbm>> -> memref<1x1x5120xf32, #tpu.memory_space<hbm>>
        %dma_start3A_31 = tpu.memref_squeeze %dma_start3A_30 : memref<1x1x5120xf32, #tpu.memory_space<hbm>> -> memref<5120xf32, #tpu.memory_space<hbm>>
        %dma_start3A_32 = arith.constant 0 : i32
        %dma_start3A_33 = tpu.memref_slice %arg7[%arg0, %run_scoped3A, %dma_start3A_32] : memref<2x1x5120xf32, #tpu.memory_space<hbm>> -> memref<1x1x5120xf32, #tpu.memory_space<hbm>>
        %dma_start3A_34 = tpu.memref_squeeze %dma_start3A_33 : memref<1x1x5120xf32, #tpu.memory_space<hbm>> -> memref<5120xf32, #tpu.memory_space<hbm>>
        tpu.enqueue_dma source(%arg13 : memref<5120xf32, #tpu.memory_space<vmem>>) target(%dma_start3A_34 : memref<5120xf32, #tpu.memory_space<hbm>>) target_semaphore(%run_scoped3A_29 : memref<!tpu.dma_semaphore, #tpu.memory_space<semaphore_mem>>)
        %dma_wait3A = arith.constant 0 : i32
        %dma_wait3A_35 = tpu.memref_slice %arg7[%arg0, %run_scoped3A, %dma_wait3A] : memref<2x1x5120xf32, #tpu.memory_space<hbm>> -> memref<1x1x5120xf32, #tpu.memory_space<hbm>>
        %dma_wait3A_36 = tpu.memref_squeeze %dma_wait3A_35 : memref<1x1x5120xf32, #tpu.memory_space<hbm>> -> memref<5120xf32, #tpu.memory_space<hbm>>
        %dma_wait3A_37 = arith.constant 0 : i32
        %dma_wait3A_38 = tpu.memref_slice %arg7[%arg0, %run_scoped3A, %dma_wait3A_37] : memref<2x1x5120xf32, #tpu.memory_space<hbm>> -> memref<1x1x5120xf32, #tpu.memory_space<hbm>>
        %dma_wait3A_39 = tpu.memref_squeeze %dma_wait3A_38 : memref<1x1x5120xf32, #tpu.memory_space<hbm>> -> memref<5120xf32, #tpu.memory_space<hbm>>
        tpu.wait_dma2 semaphore(%run_scoped3A_29 : memref<!tpu.dma_semaphore, #tpu.memory_space<semaphore_mem>>) src(%arg13 : memref<5120xf32, #tpu.memory_space<vmem>>) dst(%dma_wait3A_39 : memref<5120xf32, #tpu.memory_space<hbm>>)
        tpu.yield
      }) : () -> ()
    } else {
    }
    return
  }
}

module attributes {stable_mosaic.version = 14 : i64} {
  func.func @_edge_mean_body(%arg0: i32, %arg1: memref<2x640x128xf32, #tpu.memory_space<vmem>>, %arg2: memref<2x640xf32, #tpu.memory_space<vmem>>, %arg3: memref<640x128xf32, #tpu.memory_space<vmem>>) attributes {dimension_semantics = [#tpu.dimension_semantics<arbitrary>], iteration_bounds = array<i64: 8>, scalar_prefetch = 0 : i64, scratch_operands = 0 : i64, tpu.core_type = #tpu.core_type<tc>, window_params = [{transform_indices = @transform_0, window_bounds = array<i64: 2, 640, 128>}, {transform_indices = @transform_1, window_bounds = array<i64: 2, 640>}, {transform_indices = @transform_2, window_bounds = array<i64: 640, 128>}]} {
    %get3A = arith.constant 0 : index
    %get3A_0 = arith.constant 0 : index
    %get3A_1 = arith.constant 0 : index
    %get3A_2 = vector.load %arg1[%get3A, %get3A_0, %get3A_1] : memref<2x640x128xf32, #tpu.memory_space<vmem>>, vector<1x640x128xf32>
    %get3A_3 = vector.shape_cast %get3A_2 : vector<1x640x128xf32> to vector<640x128xf32>
    %get3A_4 = arith.constant 1 : index
    %get3A_5 = arith.constant 0 : index
    %get3A_6 = arith.constant 0 : index
    %get3A_7 = vector.load %arg1[%get3A_4, %get3A_5, %get3A_6] : memref<2x640x128xf32, #tpu.memory_space<vmem>>, vector<1x640x128xf32>
    %get3A_8 = vector.shape_cast %get3A_7 : vector<1x640x128xf32> to vector<640x128xf32>
    %add3A = arith.addf %get3A_3, %get3A_8 : vector<640x128xf32>
    %get3A_9 = arith.constant 0 : index
    %get3A_10 = arith.constant 0 : index
    %get3A_11 = vector.load %arg2[%get3A_9, %get3A_10] : memref<2x640xf32, #tpu.memory_space<vmem>>, vector<1x640xf32>
    %get3A_12 = vector.shape_cast %get3A_11 : vector<1x640xf32> to vector<640xf32>
    %get3A_13 = arith.constant 1 : index
    %get3A_14 = arith.constant 0 : index
    %get3A_15 = vector.load %arg2[%get3A_13, %get3A_14] : memref<2x640xf32, #tpu.memory_space<vmem>>, vector<1x640xf32>
    %get3A_16 = vector.shape_cast %get3A_15 : vector<1x640xf32> to vector<640xf32>
    %add3A_17 = arith.addf %get3A_12, %get3A_16 : vector<640xf32>
    %max3A = arith.constant 1.000000e+00 : f32
    %max3A_18 = vector.broadcast %max3A : f32 to vector<640xf32>
    %max3A_19 = arith.maximumf %add3A_17, %max3A_18 : vector<640xf32>
    %broadcast_in_dim3A = vector.shape_cast %max3A_19 : vector<640xf32> to vector<640x1xf32>
    %div3A = vector.broadcast %broadcast_in_dim3A : vector<640x1xf32> to vector<640x128xf32>
    %div3A_20 = arith.divf %add3A, %div3A : vector<640x128xf32>
    %swap3A = arith.constant 0 : index
    %swap3A_21 = arith.constant 0 : index
    %swap3A_22 = vector.load %arg3[%swap3A, %swap3A_21] : memref<640x128xf32, #tpu.memory_space<vmem>>, vector<640x128xf32>
    tpu.vector_store %arg3[%swap3A, %swap3A_21], %div3A_20 {strides = array<i32>} : memref<640x128xf32, #tpu.memory_space<vmem>>, vector<640x128xf32>,
    return
  }
  func.func @transform_0(%arg0: i32) -> (i32, i32, i32) {
    %c0_i32 = arith.constant 0 : i32
    %c0_i32_0 = arith.constant 0 : i32
    %c0_i32_1 = arith.constant 0 : i32
    return %c0_i32, %arg0, %c0_i32_0 : i32, i32, i32
  }
  func.func @transform_1(%arg0: i32) -> (i32, i32) {
    %c0_i32 = arith.constant 0 : i32
    %c0_i32_0 = arith.constant 0 : i32
    return %c0_i32, %arg0 : i32, i32
  }
  func.func @transform_2(%arg0: i32) -> (i32, i32) {
    %c0_i32 = arith.constant 0 : i32
    %c0_i32_0 = arith.constant 0 : i32
    return %arg0, %c0_i32 : i32, i32
  }
}

module attributes {stable_mosaic.version = 14 : i64} {
  func.func @_project_body(%arg0: i32, %arg1: memref<1000x128xf32, #tpu.memory_space<vmem>>, %arg2: memref<2x1000x128xf32, #tpu.memory_space<vmem>>, %arg3: memref<128x128xf32, #tpu.memory_space<vmem>>, %arg4: memref<1x1xf32, #tpu.memory_space<smem>>, %arg5: memref<1000x128xf32, #tpu.memory_space<vmem>>) attributes {dimension_semantics = [#tpu.dimension_semantics<arbitrary>], iteration_bounds = array<i64: 10>, scalar_prefetch = 0 : i64, scratch_operands = 0 : i64, tpu.core_type = #tpu.core_type<tc>, window_params = [{transform_indices = @transform_0, window_bounds = array<i64: 1000, 128>}, {transform_indices = @transform_1, window_bounds = array<i64: 2, 1000, 128>}, {pipeline_mode = #tpu.pipeline_mode<synchronous>, transform_indices = @transform_2, window_bounds = array<i64: 128, 128>}, {transform_indices = @transform_3, window_bounds = array<i64: 1, 1>}, {transform_indices = @transform_4, window_bounds = array<i64: 1000, 128>}]} {
    %get3A = arith.constant 0 : index
    %get3A_0 = arith.constant 0 : index
    %get3A_1 = memref.load %arg4[%get3A, %get3A_0] : memref<1x1xf32, #tpu.memory_space<smem>>
    %get3A_2 = arith.constant 0 : index
    %get3A_3 = arith.constant 0 : index
    %get3A_4 = vector.load %arg1[%get3A_2, %get3A_3] : memref<1000x128xf32, #tpu.memory_space<vmem>>, vector<1000x128xf32>
    %mul3A = vector.broadcast %get3A_1 : f32 to vector<1000x128xf32>
    %mul3A_5 = arith.mulf %mul3A, %get3A_4 : vector<1000x128xf32>
    %get3A_6 = arith.constant 0 : index
    %get3A_7 = arith.constant 0 : index
    %get3A_8 = arith.constant 0 : index
    %get3A_9 = vector.load %arg2[%get3A_6, %get3A_7, %get3A_8] : memref<2x1000x128xf32, #tpu.memory_space<vmem>>, vector<1x1000x128xf32>
    %get3A_10 = vector.shape_cast %get3A_9 : vector<1x1000x128xf32> to vector<1000x128xf32>
    %add3A = arith.addf %mul3A_5, %get3A_10 : vector<1000x128xf32>
    %get3A_11 = arith.constant 1 : index
    %get3A_12 = arith.constant 0 : index
    %get3A_13 = arith.constant 0 : index
    %get3A_14 = vector.load %arg2[%get3A_11, %get3A_12, %get3A_13] : memref<2x1000x128xf32, #tpu.memory_space<vmem>>, vector<1x1000x128xf32>
    %get3A_15 = vector.shape_cast %get3A_14 : vector<1x1000x128xf32> to vector<1000x128xf32>
    %add3A_16 = arith.addf %add3A, %get3A_15 : vector<1000x128xf32>
    %get3A_17 = arith.constant 0 : index
    %get3A_18 = arith.constant 0 : index
    %get3A_19 = vector.load %arg3[%get3A_17, %get3A_18] : memref<128x128xf32, #tpu.memory_space<vmem>>, vector<128x128xf32>
    %dot_general3A = arith.constant dense<0.000000e+00> : vector<1000x128xf32>
    %dot_general3A_20 = tpu.matmul %add3A_16, %get3A_19, %dot_general3A {dimension_numbers = #tpu.dot_dimension_numbers<[1], [1], [0], [0], [0, 0, 1, 0], [], []>, transpose_lhs_hint = false} : vector<1000x128xf32>, vector<128x128xf32>, vector<1000x128xf32> -> vector<1000x128xf32>
    %swap3A = arith.constant 0 : index
    %swap3A_21 = arith.constant 0 : index
    %swap3A_22 = vector.load %arg5[%swap3A, %swap3A_21] : memref<1000x128xf32, #tpu.memory_space<vmem>>, vector<1000x128xf32>
    tpu.vector_store %arg5[%swap3A, %swap3A_21], %dot_general3A_20 {strides = array<i32>} : memref<1000x128xf32, #tpu.memory_space<vmem>>, vector<1000x128xf32>,
    return
  }
  func.func @transform_0(%arg0: i32) -> (i32, i32) {
    %c0_i32 = arith.constant 0 : i32
    %c0_i32_0 = arith.constant 0 : i32
    return %arg0, %c0_i32 : i32, i32
  }
  func.func @transform_1(%arg0: i32) -> (i32, i32, i32) {
    %c0_i32 = arith.constant 0 : i32
    %c0_i32_0 = arith.constant 0 : i32
    %c0_i32_1 = arith.constant 0 : i32
    return %c0_i32, %arg0, %c0_i32_0 : i32, i32, i32
  }
  func.func @transform_2(%arg0: i32) -> (i32, i32) {
    %c0_i32 = arith.constant 0 : i32
    %c0_i32_0 = arith.constant 0 : i32
    %c0_i32_1 = arith.constant 0 : i32
    return %c0_i32, %c0_i32_0 : i32, i32
  }
  func.func @transform_3(%arg0: i32) -> (i32, i32) {
    %c0_i32 = arith.constant 0 : i32
    %c0_i32_0 = arith.constant 0 : i32
    %c0_i32_1 = arith.constant 0 : i32
    return %c0_i32, %c0_i32_0 : i32, i32
  }
  func.func @transform_4(%arg0: i32) -> (i32, i32) {
    %c0_i32 = arith.constant 0 : i32
    %c0_i32_0 = arith.constant 0 : i32
    return %arg0, %c0_i32 : i32, i32
  }
}

</mosaic_0001>

<sc_bundles>
// kernel: kernel.6.cloned.1.call-start
scs
__scs_entry_jumppad:
0x0: {  	(pc) =	sbr.rel $0x88, $3  }
0x1: {  	(tag) =	ssettag $0x0;
	lr =	simm.s32 $0x1  }
0x2: {  	[smem:$0x3F9C] =	sst lr;
	_ =	strace $0xD0000000  }
0x3: {  	_ = 	snop  }
0x4: {  	_ = 	snop  }
0x5: {  	_ = 	snop  }
0x6: {  	_ = 	snop  }
0x7: {  	_ = 	snop  }
__scs_overlays_trampoline_lowered:
0x8: {  	[smem:$0x3FAB] =	sst s0  }
0x9: {  	[smem:$0x3FAC] =	sst s1  }
0xa: {  	[smem:$0x3FAD] =	sst s2  }
0xb: {  	[smem:$0x3FAE] =	sst s3  }
0xc: {  	[smem:$0x3FAF] =	sst s4  }
0xd: {  	[smem:$0x3FB0] =	sst s5  }
0xe: {  	[smem:$0x3FB1] =	sst s6  }
0xf: {  	[smem:$0x3FB2] =	sst s7  }
0x10: {  	[smem:$0x3FB3] =	sst s8  }
0x11: {  	[smem:$0x3FB4] =	sst s9;
	s0 =	simm.s32 @!p0 $0x0  }
0x12: {  	s1 =	sld [smem:$0x3F9A];
	s0 =	simm.s32 @p0 $0x1  }
0x13: {  	[smem:$0x3FB5] =	sst s0;
	s0 =	simm.s32 @!p1 $0x0  }
0x14: {  	s2 =	sld [smem:$0x3F99];
	s0 =	simm.s32 @p1 $0x1  }
0x15: {  	[smem:$0x3FB6] =	sst s0;
	s0 =	simm.s32 @!p2 $0x0  }
0x16: {  	s3 =	sld [smem:$0x3FDB];
	s0 =	simm.s32 @p2 $0x1  }
0x17: {  	s4 =	simm.s32 $0x1BF5;
	[smem:$0x3FB8] =	sst s0  }
0x18: {  	s0 =	sld [smem:$0x3F9B];
	_ =	swait.ge [sflag:s4], $0x0  }
0x19: {  	s7 =	sld [smem:$0x3F9C]  }
0x1a: {  	s8 =	sadd.s32 $0xFFFFE003, lr  }
0x1b: {  	s9 =	sadd.s32 $0xFFFFFEF7, lr;
	s5 =	simm.s32 $0xFFFFFFFF;
	p2 =	slt.u32 s8, $0xFFFFF086  }
0x1c: {  	p1 =	slt.u32 s9, $0xF7A;
	s5 =	simm.s32 @!p2 $0x0  }
0x1d: {  	s5 =	simm.s32 @p1 $0x1;
	p0 =	seq.s32 s7, s2  }
0x1e: {  	s7 =	smul.u32 @!p0 $0xF7A, s2;
	p2 =	seq.s32 @!p0 s5, $0x0  }
0x1f: {  	s9 =	smul.u32 $0xF7A, s1;
	s8 =	simm.s32 @!p0 $0x1BF5;
	p2 =	por !p2, p0  }
0x20: {  	[sflag:s8] =	ssyncset.s32 @!p0 $0xFFFFF086;
	s6 =	sadd.s32 @!p0 s3, s7;
	s7 =	simm.s32 @!p0 $0x108  }
0x21: {  	s3 =	sadd.s32 s3, s9;
	s6 =	sadd.s32 @!p0 $0x88, s6;
	s7 =	simm.s32 @p2 $0x1082  }
0x22: {  	[simem:s7], [sflag:s8] =	dma.local @!p0 [hbm:s6], $0xF7A  }
0x23: {  	s9 =	sor.u32 $0xD0000000, s2;
	s6 =	simm.s32 $0x108;
	_ =	swait.ge @!p0 [sflag:s8], $0x0  }
0x24: {  	s3 =	sadd.s32 $0x88, s3;
	s6 =	simm.s32 @!p1 $0x1082;
	[sflag:s4] =	ssyncset.s32 $0xFFFFF086  }
0x25: {  	[simem:s6], [sflag:s4] =	dma.local [hbm:s3], $0xF7A  }
0x26: {  	[smem:$0x3F9C] =	sst s1;
	(tag) =	ssettag s2;
	_ =	strace s9  }
0x27: {  	s1 =	sld [smem:$0x3FAC]  }
0x28: {  	s2 =	sld [smem:$0x3FAD]  }
0x29: {  	s4 =	sld [smem:$0x3FAF]  }
0x2a: {  	p0 =	seq.s32 s5, $0x0;
	s5 =	sld [smem:$0x3FB0]  }
0x2b: {  	s6 =	sld [smem:$0x3FB1]  }
0x2c: {  	s7 =	sld [smem:$0x3FB2]  }
0x2d: {  	s3 =	simm.s32 $0x108;
	s8 =	sld [smem:$0x3FB3]  }
0x2e: {  	s3 =	simm.s32 @!p0 $0x1082;
	s9 =	sld [smem:$0x3FB4]  }
0x2f: {  	lr =	sadd.s32 s0, s3;
	s0 =	sld [smem:$0x3FAB]  }
0x30: {  	s3 =	sld [smem:$0x3FAE]  }
0x31: {  	[smem:$0x3FB7] =	sst s10  }
0x32: {  	s10 =	sld [smem:$0x3FB5];
	_ =	sdelay $0x3  }
0x33: {  	p0 =	seq.s32 s10, $0x1;
	s10 =	sld [smem:$0x3FB7];
	_ =	sdelay $0x3  }
0x34: {  	[smem:$0x3FB7] =	sst s10  }
0x35: {  	s10 =	sld [smem:$0x3FB6];
	_ =	sdelay $0x3  }
0x36: {  	p1 =	seq.s32 s10, $0x1;
	s10 =	sld [smem:$0x3FB7];
	_ =	sdelay $0x3  }
0x37: {  	[smem:$0x3FB7] =	sst s10  }
0x38: {  	s10 =	sld [smem:$0x3FB8]  }
0x39: {  	_ = 	snop;
	(pc) =	sbr.ind lr, $3  }
0x3a: {  	_ = 	snop  }
0x3b: {  	_ = 	snop  }
0x3c: {  	p2 =	seq.s32 s10, $0x1;
	s10 =	sld [smem:$0x3FB7]  }
0x3d: {  	_ =	shalt  }
0x3e: {  	_ =	shalt  }
0x3f: {  	_ =	shalt  }
0x40: {  	_ =	shalt  }
0x41: {  	_ =	shalt  }
0x42: {  	_ =	shalt  }
0x43: {  	_ =	shalt  }
0x44: {  	_ =	shalt  }
0x45: {  	_ =	shalt  }
0x46: {  	_ =	shalt  }
0x47: {  	_ =	shalt  }
0x48: {  	_ =	shalt  }
0x49: {  	_ =	shalt  }
0x4a: {  	_ =	shalt  }
0x4b: {  	_ =	shalt  }
0x4c: {  	_ =	shalt  }
0x4d: {  	_ =	shalt  }
0x4e: {  	_ =	shalt  }
0x4f: {  	_ =	shalt  }
0x50: {  	_ =	shalt  }
0x51: {  	_ =	shalt  }
0x52: {  	_ =	shalt  }
0x53: {  	_ =	shalt  }
0x54: {  	_ =	shalt  }
0x55: {  	_ =	shalt  }
0x56: {  	_ =	shalt  }
0x57: {  	_ =	shalt  }
0x58: {  	_ =	shalt  }
0x59: {  	_ =	shalt  }
0x5a: {  	_ =	shalt  }
0x5b: {  	_ =	shalt  }
0x5c: {  	_ =	shalt  }
0x5d: {  	_ =	shalt  }
0x5e: {  	_ =	shalt  }
0x5f: {  	_ =	shalt  }
0x60: {  	_ =	shalt  }
0x61: {  	_ =	shalt  }
0x62: {  	_ =	shalt  }
0x63: {  	_ =	shalt  }
0x64: {  	_ =	shalt  }
0x65: {  	_ =	shalt  }
0x66: {  	_ =	shalt  }
0x67: {  	_ =	shalt  }
0x68: {  	_ =	shalt  }
0x69: {  	_ =	shalt  }
0x6a: {  	_ =	shalt  }
0x6b: {  	_ =	shalt  }
0x6c: {  	_ =	shalt  }
0x6d: {  	_ =	shalt  }
0x6e: {  	_ =	shalt  }
0x6f: {  	_ =	shalt  }
0x70: {  	_ =	shalt  }
0x71: {  	_ =	shalt  }
0x72: {  	_ =	shalt  }
0x73: {  	_ =	shalt  }
0x74: {  	_ =	shalt  }
0x75: {  	_ =	shalt  }
0x76: {  	_ =	shalt  }
0x77: {  	_ =	shalt  }
0x78: {  	_ =	shalt  }
0x79: {  	_ =	shalt  }
0x7a: {  	_ =	shalt  }
0x7b: {  	_ =	shalt  }
0x7c: {  	_ =	shalt  }
0x7d: {  	_ =	shalt  }
0x7e: {  	_ =	shalt  }
0x7f: {  	_ =	shalt  }
0x80: {  	_ =	shalt  }
0x81: {  	_ =	shalt  }
0x82: {  	_ =	shalt  }
0x83: {  	_ =	shalt  }
0x84: {  	_ =	shalt  }
0x85: {  	_ =	shalt  }
0x86: {  	_ =	shalt  }
0x87: {  	_ =	shalt  }
.Lfunc_end0:
.L_simem_size_0:
called_computation_lowered:
.L_overlay_start_0:
0x88: {  	s2 =	sld [smem:$0x3FD9]  }
0x89: {  	s3 =	sld [smem:$0x3FFE];
	_ =	sdelay $0x1  }
0x8a: {  	s1 =	srdreg.scid  }
0x8b: {  	s0 =	sand.u32 $0x1, s1  }
0x8c: {  	s17 =	sshll.u32 s0, $0xA;
	s2 =	sadd.s32 s3, s2  }
0x8d: {  	s2 =	sadd.s32 s2, s17  }
0x8e: {  	[smem:$0x3FC3] =	sst s2  }
0x8f: {  	_ = 	snop  }
0x90: {  	s2 =	sld [smem:$0x3FC9]  }
0x91: {  	s18 =	sld [smem:$0x3FD0];
	(tm) =	ssettm $0x1  }
0x92: {  	s4 =	sld [smem:$0x3FFB];
	_ =	sdelay $0x3  }
0x93: {  	_ =	strace s4  }
0x94: {  	s4 =	sld [smem:$0x3FFC];
	_ =	sdelay $0x3  }
0x95: {  	_ =	strace s4  }
0x96: {  	s4 =	sld [smem:$0x3FFD];
	_ =	sdelay $0x3  }
0x97: {  	_ =	strace s4  }
0x98: {  	_ =	strace $0x8FFFFFFF  }
0x99: {  	s19 =	sld [smem:$0x3FDB];
	_ =	sdelay $0x1  }
0x9a: {  	s5 =	simm.s32 $_scs_section_size  }
0x9b: {  	s6 =	simm.s32 $_size__tile_overlayer_lowered;
	s7 =	simm.s32 $_tile_overlayer_lowered  }
0x9c: {  	s22 =	simm.s32 $0x1BFF;
	s21 =	sshll.u32 s7, $0x1;
	s4 =	sadd.s32 s5, s19  }
0x9d: {  	s8 =	simm.s32 $0x0;
	s20 =	sshll.u32 s6, $0x1;
	s6 =	sadd.s32 s21, s4  }
0x9e: {  	[timem:s8], [sflag:s22] =	dma.local [hbm:s6], s20  }
0x9f: {  	_ =	swait.ge [sflag:s22], s20  }
0xa0: {  	s5 =	ssub.s32 $0x0, s20;
	[sflag:s22] =	ssyncset.done $0x0  }
0xa1: {  	[sflag:s22] =	ssyncadd.s32 s5;
	_ =	sdelay $0x1  }
0xa2: {  	s23 =	simm.s32 $0x1B8B  }
0xa3: {  	_ =	swait.ge [sflag:s23], $0x1  }
0xa4: {  	[sflag:s23] =	ssyncset.done $0x0  }
0xa5: {  	s25 =	simm.s32 $0x1B8E;
	s24 =	sld [smem:$0x3FFE];
	[sflag:s23] =	ssyncadd.s32 $0xFFFFFFFF  }
0xa6: {  	s26 =	simm.s32 $execute0_lowered;
	[smem:$0x3FD2] =	sst s25  }
0xa7: {  	s6 =	sshll.u32 s26, $0x1;
	_ =	strace $0x80000046;
	[dreg:$0x1] =	wrdreg $0xFFFFFFFF  }
0xa8: {  	s28 =	simm.s32 $_size_execute0_lowered;
	s4 =	sadd.s32 s4, s6;
	[dreg:$0x0] =	wrdreg $0x0  }
0xa9: {  	s6 =	sshll.u32 s28, $0x1;
	[dreg:$0x2] =	wrdreg s4  }
0xaa: {  	[dreg:$0x3] =	wrdreg s6  }
0xab: {  	[dreg:$0x4] =	wrdreg $0xC0  }
0xac: {  	_ =	task [dreg:s8], $0x5FFFF  }
0xad: {  	[dreg:$0x1] =	wrdreg $0xFFFFFFFF  }
0xae: {  	[dreg:$0x0] =	wrdreg $0x60  }
0xaf: {  	[dreg:$0x2] =	wrdreg s2  }
0xb0: {  	[dreg:$0x3] =	wrdreg s18  }
0xb1: {  	[dreg:$0x4] =	wrdreg s24  }
0xb2: {  	[dreg:$0x5] =	wrdreg $0xA6000  }
0xb3: {  	[dreg:$0x6] =	wrdreg $0x146000  }
0xb4: {  	[dreg:$0x7] =	wrdreg $0x9  }
0xb5: {  	_ =	task.clear_ibuf [dreg:s8], $0x8FFFF;
	_ =	strace $0x90000046  }
0xb6: {  	s29 =	simm.s32 $0x9;
	_ =	strace $0x80000048  }
0xb7: {  	_ =	swait.ge [sflag:s29], $0x1  }
0xb8: {  	[sflag:s29] =	ssyncadd.s32 $0xFFFFFFFF  }
0xb9: {  	_ =	strace $0x90000048  }
0xba: {  	_ =	sfence  }
0xbb: {  	s30 =	sld [smem:$0x0];
	_ =	sdelay $0x2  }
0xbc: {  	s31 =	sshll.u32 s1, $0xD;
	s1 =	sshrl.u32 s1, $0x2  }
0xbd: {  	s3 =	sand.u32 $0x4000, s31;
	s1 =	sadd.s32 s1, s30  }
0xbe: {  	s0 =	sor.u32 s3, s0;
	s1 =	sshll.u32 s1, $0x11  }
0xbf: {  	s0 =	sor.u32 s1, s0  }
0xc0: {  	s0 =	sadd.s32 $0x8F2B, s0  }
0xc1: {  	[sflag:s0] =	ssyncadd.remote.s32 $0x1  }
0xc2: {  	_ =	sfence.sel $0xFFFF  }
0xc3: {  	[dreg:$0x0] =	wrdreg $0xFFFFFFFF;
	(pc) =	sbr.abs _section_cstart, $3  }
0xc4: {  	[dreg:$0x1] =	wrdreg $0xFFFFFFFF  }
0xc5: {  	_ =	task.clear_ibuf [dreg:s8], $0x2FFFF;
	_ =	strace $0x9FFFFFFF  }
0xc6: {  	(tm) =	ssettm $0x7FFFFFFF  }
0xc7: {  	_ =	shalt  }
tec
execute0_lowered:
.L_overlay_start_1:
0x0: {  	(tag) =	ssettag $0x1  }
0x1: {  	s0 =	rddreg [dreg:$0x0]  }
0x2: {  	s8 =	rddreg [dreg:$0x1]  }
0x3: {  	s6 =	rddreg [dreg:$0x2]  }
0x4: {  	s1 =	srdreg.scid;
	s2 =	rddreg [dreg:$0x3]  }
0x5: {  	s21 =	stileid.u32;
	s3 =	rddreg [dreg:$0x4];
	s4 =	simm.s32 $0x0  }
0x6: {  	s16 =	simm.s32 $0x2800;
	s17 =	simm.s32 $0x80;
	s11 =	smul.u32 $0xA000, s21  }
0x7: {  	s18 =	simm.s32 $0x5000;
	s19 =	simm.s32 $0x1;
	s26 =	smul.u32 $0x28000, s21  }
0x8: {  	s20 =	simm.s32 $0x9000;
	s7 =	sand.u32 $0x1, s1;
	s15 =	smul.u32 $0x500, s21  }
0x9: {  	[smem:$0x7FF] =	sst s4;
	s29 =	sshll.u32 s21, $0x6;
	s10 =	smul.u32 $0xA0000, s7  }
0xa: {  	p0 =	sne.s32 s21, $0x0;
	s1 =	sshll.u32 s7, $0x4;
	s13 =	smul.u32 $0x280, s7  }
0xb: {  	s7 =	ssub.s32 $0x2, s7;
	s5 =	sor.u32 s21, s1;
	s1 =	rddreg [dreg:$0x5]  }
0xc: {  	_ =	strace $0x80000047;
	s14 =	sshrl.u32 s7, $0x1;
	s28 =	sshrl.u32 s26, $0x2  }
0xd: {  	s30 =	sshrl.u32 s15, $0x2;
	s15 =	simm.s32 $0x9080;
	s21 =	simm.s32 $0x0  }
0xe: {  	s9 =	smul.u32 $0x500, s5;
	s5 =	sadd.s32 $0x16000, s6;
	s10 =	sadd.s32 s11, s10  }
0xf: {  	s13 =	sadd.s32 s13, s6;
	s14 =	ssub.s32 s7, s14;
	s31 =	sadd.s32 s28, s2  }
0x10: {  	s7 =	sadd.s32 s30, s3;
	s10 =	sshrl.u32 s10, $0x3;
	s11 =	sadd.s32 $0x17400, s13  }
0x11: {  	s13 =	sshrl.u32 s31, $0x3;
	s12 =	sadd.s32 s9, s6;
	s10 =	sadd.s32 s10, s6  }
0x12: {  	s6 =	sor.u32 $0x1C02, s29;
	s8 =	sadd.s32 s8, s9;
	s9 =	sadd.s32 $0xC000, s12  }
0x13: {  	v0 =	vimm.f32 $0.0e+00;
	v1 =	vimm.f32 $1.000000000e+00;
	s10 =	sadd.s32 $0x17A00, s10;
	s12 =	smax.u32 s14, $0x1;
	s14 =	simm.s32 $0x2  }
.LBB2_1:
0x14: {  	[spmem:s13], [sflag:s6] =	dma.local [hbm:s5], $0x1400  }
0x15: {  	_ =	swait.ge [sflag:s14], $0x1400  }
0x16: {  	[sflag:s14] =	ssyncset.done $0x0  }
0x17: {  	[sflag:s14] =	ssyncadd.s32 $0xFFFFEC00  }
0x18: {  	[tilespmem:$0x9080] =	vst v0  }
0x19: {  	[tilespmem:$0x9090] =	vst v0  }
0x1a: {  	[tilespmem:$0x90A0] =	vst v0  }
0x1b: {  	[tilespmem:$0x90B0] =	vst v0  }
0x1c: {  	[tilespmem:$0x90C0] =	vst v0  }
0x1d: {  	[tilespmem:$0x90D0] =	vst v0  }
0x1e: {  	[tilespmem:$0x90E0] =	vst v0  }
0x1f: {  	[tilespmem:$0x90F0] =	vst v0  }
0x20: {  	[tilespmem:$0x9100] =	vst v0  }
0x21: {  	[tilespmem:$0x9110] =	vst v0  }
0x22: {  	[tilespmem:$0x9120] =	vst v0  }
0x23: {  	[tilespmem:$0x9130] =	vst v0  }
0x24: {  	[tilespmem:$0x9140] =	vst v0  }
0x25: {  	[tilespmem:$0x9150] =	vst v0  }
0x26: {  	[tilespmem:$0x9160] =	vst v0  }
0x27: {  	[tilespmem:$0x9170] =	vst v0  }
0x28: {  	[tilespmem:$0x9180] =	vst v0  }
0x29: {  	[tilespmem:$0x9190] =	vst v0  }
0x2a: {  	[tilespmem:$0x91A0] =	vst v0  }
0x2b: {  	[tilespmem:$0x91B0] =	vst v0  }
0x2c: {  	[spmem:s7] =	stream.linear.scatter [tilespmem:s15], [sflag:$0x2], $0x140, $0x38;
	[tilespmem:$0x14740] =	vst v63  }
0x2d: {  	_ =	swait.ge [sflag:s14], $0x140  }
0x2e: {  	[sflag:s14] =	ssyncset.done $0x0  }
0x2f: {  	[sflag:s14] =	ssyncadd.s32 $0xFFFFFEC0  }
0x30: {  	[tilespmem:$0x9000] =	vst v1  }
0x31: {  	[tilespmem:$0x9010] =	vst v1  }
0x32: {  	[tilespmem:$0x9020] =	vst v1  }
0x33: {  	[tilespmem:$0x9030] =	vst v1  }
0x34: {  	[tilespmem:$0x9040] =	vst v1  }
0x35: {  	[tilespmem:$0x9050] =	vst v1  }
0x36: {  	[tilespmem:$0x9060] =	vst v1  }
0x37: {  	[tilespmem:$0x9070] =	vst v1  }
0x38: {  	[tilespmem:s4], [sflag:$0x2] =	stream.linear.gather [hbm4b:s8+s4], $0x2800, $0x38;
	[tilespmem:$0x14740] =	vst v63  }
0x39: {  	_ =	swait.ge [sflag:s14], $0x2800  }
0x3a: {  	[sflag:s14] =	ssyncset.done $0x0  }
0x3b: {  	[sflag:s14] =	ssyncadd.s32 $0xFFFFD800  }
0x3c: {  	[tilespmem:s16], [sflag:$0x2] =	stream.linear.gather [hbm4b:s9+s4], $0x2800, $0x38;
	[tilespmem:$0x14740] =	vst v63  }
0x3d: {  	_ =	swait.ge [sflag:s14], $0x2800  }
0x3e: {  	[sflag:s14] =	ssyncset.done $0x0  }
0x3f: {  	[sflag:s14] =	ssyncadd.s32 $0xFFFFD800  }
0x40: {  	s22 =	simm.s32 $0x0;
	[bflag:$0x0] =	sbarrier.arrive $0xFFFF  }
0x41: {  	[tilespmem:s18], [sflag:$0x1] =	stream.indirect.gather [hbm4b:s0+s17], $0x80, s22, s17, $0xb8;
	[tilespmem:$0x14740] =	vst v63  }
0x42: {  	_ =	swait.ge [sflag:s19], $0x4000  }
0x43: {  	[sflag:s19] =	ssyncset.done $0x0  }
0x44: {  	s31 =	simm.s32 $0x2800;
	[sflag:s19] =	ssyncadd.s32 $0xFFFFC000  }
0x45: {  	[spmem:s2] =	stream.indirect.scatter.add.f32 [tilespmem:s18], [sflag:$0x2], $0x80, s31, s17, $0xb8;
	[tilespmem:$0x14740] =	vst v63  }
0x46: {  	_ =	swait.ge [sflag:s14], $0x4000  }
0x47: {  	[sflag:s14] =	ssyncset.done $0x0  }
0x48: {  	[sflag:s14] =	ssyncadd.s32 $0xFFFFC000  }
0x49: {  	[spmem:s3] =	stream.indirect.scatter.add.f32 [tilespmem:s20], [sflag:$0x2], $0x1, s31, s17, $0xb8;
	[tilespmem:$0x14740] =	vst v63  }
0x4a: {  	_ =	swait.ge [sflag:s14], $0x80  }
0x4b: {  	s23 =	simm.s32 $0x400;
	s22 =	simm.s32 $0x200;
	[sflag:s14] =	ssyncset.done $0x0  }
.LBB2_2:
0x4c: {  	s24 =	sshra.s32 s22, $0x2  }
0x4d: {  	[sflag:s14] =	ssyncadd.s32 $0xFFFFFF80;
	s22 =	smov.u32 s23;
	s25 =	sadd.s32 $0x200, s23  }
0x4e: {  	[tilespmem:s18], [sflag:$0x1] =	stream.indirect.gather [hbm4b:s0+s17], $0x80, s24, s17, $0xb8;
	[tilespmem:$0x14740] =	vst v63  }
0x4f: {  	p1 =	sne.s32 s23, $0x9E00;
	_ =	swait.ge [sflag:s19], $0x4000  }
0x50: {  	[sflag:s19] =	ssyncset.done $0x0  }
0x51: {  	s23 =	sadd.s32 $0x2800, s24;
	[sflag:s19] =	ssyncadd.s32 $0xFFFFC000  }
0x52: {  	[spmem:s2] =	stream.indirect.scatter.add.f32 [tilespmem:s18], [sflag:$0x2], $0x80, s23, s17, $0xb8;
	[tilespmem:$0x14740] =	vst v63  }
0x53: {  	_ =	swait.ge [sflag:s14], $0x4000  }
.Ltmp0:
0x54: {  	[sflag:s14] =	ssyncset.done $0x0;
	(pc) =	sbr.rel @p1 .LBB2_2-.Ltmp0, $4  }
0x55: {  	[sflag:s14] =	ssyncadd.s32 $0xFFFFC000  }
0x56: {  	[spmem:s3] =	stream.indirect.scatter.add.f32 [tilespmem:s20], [sflag:$0x2], $0x1, s23, s17, $0xb8;
	[tilespmem:$0x14740] =	vst v63  }
0x57: {  	_ =	swait.ge [sflag:s14], $0x80  }
0x58: {  	s23 =	smov.u32 s25;
	[sflag:s14] =	ssyncset.done $0x0  }
0x59: {  	s22 =	sshra.s32 s22, $0x2;
	[sflag:s14] =	ssyncadd.s32 $0xFFFFFF80  }
0x5a: {  	[tilespmem:s18], [sflag:$0x1] =	stream.indirect.gather [hbm4b:s0+s17], $0x80, s22, s17, $0xb8;
	[tilespmem:$0x14740] =	vst v63  }
0x5b: {  	_ =	swait.ge [sflag:s19], $0x4000  }
0x5c: {  	[sflag:s19] =	ssyncset.done $0x0  }
0x5d: {  	s22 =	sadd.s32 $0x2800, s22;
	[sflag:s19] =	ssyncadd.s32 $0xFFFFC000  }
0x5e: {  	[spmem:s2] =	stream.indirect.scatter.add.f32 [tilespmem:s18], [sflag:$0x2], $0x80, s22, s17, $0xb8;
	[tilespmem:$0x14740] =	vst v63  }
0x5f: {  	_ =	swait.ge [sflag:s14], $0x4000  }
0x60: {  	[sflag:s14] =	ssyncset.done $0x0  }
0x61: {  	[sflag:s14] =	ssyncadd.s32 $0xFFFFC000  }
0x62: {  	[spmem:s3] =	stream.indirect.scatter.add.f32 [tilespmem:s20], [sflag:$0x2], $0x1, s22, s17, $0xb8;
	[tilespmem:$0x14740] =	vst v63  }
0x63: {  	_ =	swait.ge [sflag:s14], $0x80  }
0x64: {  	[sflag:s14] =	ssyncset.done $0x0  }
0x65: {  	[sflag:s14] =	ssyncadd.s32 $0xFFFFFF80  }
0x66: {  	[bflag:$0x0] =	sbarrier.arrive $0xFFFF  }
0x67: {  	[hbm:s10], [sflag:s6] =	dma.local [spmem:s13], $0x1400  }
0x68: {  	_ =	swait.ge [sflag:s14], $0x1400  }
0x69: {  	[sflag:s14] =	ssyncset.done $0x0  }
0x6a: {  	s23 =	simm.s32 @!p0 $0x2;
	s22 =	simm.s32 @!p0 $0x9200;
	[sflag:s14] =	ssyncadd.s32 $0xFFFFEC00  }
0x6b: {  	[tilespmem:s22], [sflag:$0x2] =	stream.linear.gather @!p0 [spmem:s3], $0x1400, $0x38;
	[tilespmem:$0x14740] =	vst v63  }
0x6c: {  	s21 =	sadd.s32 $0x1, s21;
	_ =	swait.ge @!p0 [sflag:s23], $0x1400  }
0x6d: {  	p1 =	sne.s32 s21, s12;
	[sflag:s23] =	ssyncset.done @!p0 $0x0  }
.Ltmp1:
0x6e: {  	s24 =	simm.s32 @!p0 $0x0;
	[sflag:s23] =	ssyncadd.s32 @!p0 $0xFFFFEC00;
	(pc) =	sbr.rel @p1 .LBB2_1-.Ltmp1, $4  }
0x6f: {  	[hbm4b:s11+s24] =	stream.linear.scatter @!p0 [tilespmem:s22], [sflag:$0x2], $0x1400, $0x38;
	[tilespmem:$0x14740] =	vst v63  }
0x70: {  	_ =	swait.ge @!p0 [sflag:s23], $0x1400  }
0x71: {  	[sflag:s23] =	ssyncset.done @!p0 $0x0  }
0x72: {  	[sflag:s23] =	ssyncadd.s32 @!p0 $0xFFFFEC00  }
0x73: {  	_ =	sfence.sel $0x180000  }
0x74: {  	[bflag:$0x0] =	sbarrier.arrive $0xFFFF  }
0x75: {  	_ =	strace $0x90000047  }
0x76: {  	s0 =	sadd.s32 @!p0 $0x100000, s1;
	[bflag:$0x2] =	sbarrier.arrive $0xFFFF  }
0x77: {  	[sflag:s0] =	ssyncadd.tile.s32 @!p0 $0x1;
	_ =	shalt  }
.Lfunc_end2:
_tile_overlayer_lowered:
.L_overlay_start_2:
0x78: {  	(tag) =	ssettag $0x2  }
0x79: {  	s0 =	rddreg [dreg:$0x0];
	s2 =	stileid.u32  }
0x7a: {  	s1 =	rddreg [dreg:$0x1];
	p0 =	sne.s32 s2, $0x0  }
0x7b: {  	s3 =	rddreg [dreg:$0x2];
	[bflag:$0x3] =	sbarrier.arrive $0xFFFF;
	s2 =	simm.s32 @!p0 $0x1C02  }
0x7c: {  	[timem:s3], [sflag:s2] =	dma.local @!p0 [hbm:s0], s1  }
0x7d: {  	s0 =	simm.s32 @!p0 $0x2  }
0x7e: {  	_ =	swait.ge @!p0 [sflag:s0], s1  }
0x7f: {  	s1 =	ssub.s32 @!p0 $0x0, s1;
	[sflag:s0] =	ssyncset.done @!p0 $0x0  }
0x80: {  	[sflag:s0] =	ssyncadd.s32 @!p0 s1  }
0x81: {  	[bflag:$0x3] =	sbarrier.arrive $0xFFFF  }
0x82: {  	_ =	shalt  }

// kernel: kernel.9.cloned.1.call-start
scs
__scs_entry_jumppad:
0x0: {  	(pc) =	sbr.rel $0x88, $3  }
0x1: {  	(tag) =	ssettag $0x0;
	lr =	simm.s32 $0x1  }
0x2: {  	[smem:$0x3F9C] =	sst lr;
	_ =	strace $0xD0000000  }
0x3: {  	_ = 	snop  }
0x4: {  	_ = 	snop  }
0x5: {  	_ = 	snop  }
0x6: {  	_ = 	snop  }
0x7: {  	_ = 	snop  }
__scs_overlays_trampoline_lowered:
0x8: {  	[smem:$0x3FAB] =	sst s0  }
0x9: {  	[smem:$0x3FAC] =	sst s1  }
0xa: {  	[smem:$0x3FAD] =	sst s2  }
0xb: {  	[smem:$0x3FAE] =	sst s3  }
0xc: {  	[smem:$0x3FAF] =	sst s4  }
0xd: {  	[smem:$0x3FB0] =	sst s5  }
0xe: {  	[smem:$0x3FB1] =	sst s6  }
0xf: {  	[smem:$0x3FB2] =	sst s7  }
0x10: {  	[smem:$0x3FB3] =	sst s8  }
0x11: {  	[smem:$0x3FB4] =	sst s9;
	s0 =	simm.s32 @!p0 $0x0  }
0x12: {  	s1 =	sld [smem:$0x3F9A];
	s0 =	simm.s32 @p0 $0x1  }
0x13: {  	[smem:$0x3FB5] =	sst s0;
	s0 =	simm.s32 @!p1 $0x0  }
0x14: {  	s2 =	sld [smem:$0x3F99];
	s0 =	simm.s32 @p1 $0x1  }
0x15: {  	[smem:$0x3FB6] =	sst s0;
	s0 =	simm.s32 @!p2 $0x0  }
0x16: {  	s3 =	sld [smem:$0x3FDB];
	s0 =	simm.s32 @p2 $0x1  }
0x17: {  	s4 =	simm.s32 $0x1BF5;
	[smem:$0x3FB8] =	sst s0  }
0x18: {  	s0 =	sld [smem:$0x3F9B];
	_ =	swait.ge [sflag:s4], $0x0  }
0x19: {  	s7 =	sld [smem:$0x3F9C]  }
0x1a: {  	s8 =	sadd.s32 $0xFFFFE003, lr  }
0x1b: {  	s9 =	sadd.s32 $0xFFFFFEF7, lr;
	s5 =	simm.s32 $0xFFFFFFFF;
	p2 =	slt.u32 s8, $0xFFFFF086  }
0x1c: {  	p1 =	slt.u32 s9, $0xF7A;
	s5 =	simm.s32 @!p2 $0x0  }
0x1d: {  	s5 =	simm.s32 @p1 $0x1;
	p0 =	seq.s32 s7, s2  }
0x1e: {  	s7 =	smul.u32 @!p0 $0xF7A, s2;
	p2 =	seq.s32 @!p0 s5, $0x0  }
0x1f: {  	s9 =	smul.u32 $0xF7A, s1;
	s8 =	simm.s32 @!p0 $0x1BF5;
	p2 =	por !p2, p0  }
0x20: {  	[sflag:s8] =	ssyncset.s32 @!p0 $0xFFFFF086;
	s6 =	sadd.s32 @!p0 s3, s7;
	s7 =	simm.s32 @!p0 $0x108  }
0x21: {  	s3 =	sadd.s32 s3, s9;
	s6 =	sadd.s32 @!p0 $0x88, s6;
	s7 =	simm.s32 @p2 $0x1082  }
0x22: {  	[simem:s7], [sflag:s8] =	dma.local @!p0 [hbm:s6], $0xF7A  }
0x23: {  	s9 =	sor.u32 $0xD0000000, s2;
	s6 =	simm.s32 $0x108;
	_ =	swait.ge @!p0 [sflag:s8], $0x0  }
0x24: {  	s3 =	sadd.s32 $0x88, s3;
	s6 =	simm.s32 @!p1 $0x1082;
	[sflag:s4] =	ssyncset.s32 $0xFFFFF086  }
0x25: {  	[simem:s6], [sflag:s4] =	dma.local [hbm:s3], $0xF7A  }
0x26: {  	[smem:$0x3F9C] =	sst s1;
	(tag) =	ssettag s2;
	_ =	strace s9  }
0x27: {  	s1 =	sld [smem:$0x3FAC]  }
0x28: {  	s2 =	sld [smem:$0x3FAD]  }
0x29: {  	s4 =	sld [smem:$0x3FAF]  }
0x2a: {  	p0 =	seq.s32 s5, $0x0;
	s5 =	sld [smem:$0x3FB0]  }
0x2b: {  	s6 =	sld [smem:$0x3FB1]  }
0x2c: {  	s7 =	sld [smem:$0x3FB2]  }
0x2d: {  	s3 =	simm.s32 $0x108;
	s8 =	sld [smem:$0x3FB3]  }
0x2e: {  	s3 =	simm.s32 @!p0 $0x1082;
	s9 =	sld [smem:$0x3FB4]  }
0x2f: {  	lr =	sadd.s32 s0, s3;
	s0 =	sld [smem:$0x3FAB]  }
0x30: {  	s3 =	sld [smem:$0x3FAE]  }
0x31: {  	[smem:$0x3FB7] =	sst s10  }
0x32: {  	s10 =	sld [smem:$0x3FB5];
	_ =	sdelay $0x3  }
0x33: {  	p0 =	seq.s32 s10, $0x1;
	s10 =	sld [smem:$0x3FB7];
	_ =	sdelay $0x3  }
0x34: {  	[smem:$0x3FB7] =	sst s10  }
0x35: {  	s10 =	sld [smem:$0x3FB6];
	_ =	sdelay $0x3  }
0x36: {  	p1 =	seq.s32 s10, $0x1;
	s10 =	sld [smem:$0x3FB7];
	_ =	sdelay $0x3  }
0x37: {  	[smem:$0x3FB7] =	sst s10  }
0x38: {  	s10 =	sld [smem:$0x3FB8]  }
0x39: {  	_ = 	snop;
	(pc) =	sbr.ind lr, $3  }
0x3a: {  	_ = 	snop  }
0x3b: {  	_ = 	snop  }
0x3c: {  	p2 =	seq.s32 s10, $0x1;
	s10 =	sld [smem:$0x3FB7]  }
0x3d: {  	_ =	shalt  }
0x3e: {  	_ =	shalt  }
0x3f: {  	_ =	shalt  }
0x40: {  	_ =	shalt  }
0x41: {  	_ =	shalt  }
0x42: {  	_ =	shalt  }
0x43: {  	_ =	shalt  }
0x44: {  	_ =	shalt  }
0x45: {  	_ =	shalt  }
0x46: {  	_ =	shalt  }
0x47: {  	_ =	shalt  }
0x48: {  	_ =	shalt  }
0x49: {  	_ =	shalt  }
0x4a: {  	_ =	shalt  }
0x4b: {  	_ =	shalt  }
0x4c: {  	_ =	shalt  }
0x4d: {  	_ =	shalt  }
0x4e: {  	_ =	shalt  }
0x4f: {  	_ =	shalt  }
0x50: {  	_ =	shalt  }
0x51: {  	_ =	shalt  }
0x52: {  	_ =	shalt  }
0x53: {  	_ =	shalt  }
0x54: {  	_ =	shalt  }
0x55: {  	_ =	shalt  }
0x56: {  	_ =	shalt  }
0x57: {  	_ =	shalt  }
0x58: {  	_ =	shalt  }
0x59: {  	_ =	shalt  }
0x5a: {  	_ =	shalt  }
0x5b: {  	_ =	shalt  }
0x5c: {  	_ =	shalt  }
0x5d: {  	_ =	shalt  }
0x5e: {  	_ =	shalt  }
0x5f: {  	_ =	shalt  }
0x60: {  	_ =	shalt  }
0x61: {  	_ =	shalt  }
0x62: {  	_ =	shalt  }
0x63: {  	_ =	shalt  }
0x64: {  	_ =	shalt  }
0x65: {  	_ =	shalt  }
0x66: {  	_ =	shalt  }
0x67: {  	_ =	shalt  }
0x68: {  	_ =	shalt  }
0x69: {  	_ =	shalt  }
0x6a: {  	_ =	shalt  }
0x6b: {  	_ =	shalt  }
0x6c: {  	_ =	shalt  }
0x6d: {  	_ =	shalt  }
0x6e: {  	_ =	shalt  }
0x6f: {  	_ =	shalt  }
0x70: {  	_ =	shalt  }
0x71: {  	_ =	shalt  }
0x72: {  	_ =	shalt  }
0x73: {  	_ =	shalt  }
0x74: {  	_ =	shalt  }
0x75: {  	_ =	shalt  }
0x76: {  	_ =	shalt  }
0x77: {  	_ =	shalt  }
0x78: {  	_ =	shalt  }
0x79: {  	_ =	shalt  }
0x7a: {  	_ =	shalt  }
0x7b: {  	_ =	shalt  }
0x7c: {  	_ =	shalt  }
0x7d: {  	_ =	shalt  }
0x7e: {  	_ =	shalt  }
0x7f: {  	_ =	shalt  }
0x80: {  	_ =	shalt  }
0x81: {  	_ =	shalt  }
0x82: {  	_ =	shalt  }
0x83: {  	_ =	shalt  }
0x84: {  	_ =	shalt  }
0x85: {  	_ =	shalt  }
0x86: {  	_ =	shalt  }
0x87: {  	_ =	shalt  }
.Lfunc_end0:
.L_simem_size_0:
called_computation.1_lowered:
.L_overlay_start_0:
0x88: {  	s2 =	sld [smem:$0x3FD9]  }
0x89: {  	s3 =	sld [smem:$0x3FFE];
	_ =	sdelay $0x1  }
0x8a: {  	s1 =	srdreg.scid  }
0x8b: {  	s0 =	sand.u32 $0x1, s1  }
0x8c: {  	s17 =	sshll.u32 s0, $0xA;
	s2 =	sadd.s32 s3, s2  }
0x8d: {  	s2 =	sadd.s32 s2, s17  }
0x8e: {  	[smem:$0x3FC3] =	sst s2  }
0x8f: {  	_ = 	snop  }
0x90: {  	s2 =	sld [smem:$0x3FD0];
	(tm) =	ssettm $0x1  }
0x91: {  	s18 =	sld [smem:$0x3FFB];
	_ =	sdelay $0x3  }
0x92: {  	_ =	strace s18  }
0x93: {  	s3 =	sld [smem:$0x3FFC];
	_ =	sdelay $0x3  }
0x94: {  	_ =	strace s3  }
0x95: {  	s3 =	sld [smem:$0x3FFD];
	_ =	sdelay $0x3  }
0x96: {  	_ =	strace s3  }
0x97: {  	_ =	strace $0x8FFFFFFF  }
0x98: {  	s19 =	sld [smem:$0x3FDB];
	_ =	sdelay $0x1  }
0x99: {  	s4 =	simm.s32 $_scs_section_size  }
0x9a: {  	s5 =	simm.s32 $_size__tile_overlayer_lowered;
	s6 =	simm.s32 $_tile_overlayer_lowered  }
0x9b: {  	s22 =	simm.s32 $0x1BFF;
	s21 =	sshll.u32 s6, $0x1;
	s3 =	sadd.s32 s4, s19  }
0x9c: {  	s7 =	simm.s32 $0x0;
	s20 =	sshll.u32 s5, $0x1;
	s5 =	sadd.s32 s21, s3  }
0x9d: {  	[timem:s7], [sflag:s22] =	dma.local [hbm:s5], s20  }
0x9e: {  	_ =	swait.ge [sflag:s22], s20  }
0x9f: {  	s4 =	ssub.s32 $0x0, s20;
	[sflag:s22] =	ssyncset.done $0x0  }
0xa0: {  	[sflag:s22] =	ssyncadd.s32 s4;
	_ =	sdelay $0x1  }
0xa1: {  	s23 =	simm.s32 $0x1B8B  }
0xa2: {  	_ =	swait.ge [sflag:s23], $0x1  }
0xa3: {  	[sflag:s23] =	ssyncset.done $0x0  }
0xa4: {  	s25 =	simm.s32 $0x1B8E;
	s24 =	sld [smem:$0x3FFE];
	[sflag:s23] =	ssyncadd.s32 $0xFFFFFFFF  }
0xa5: {  	s26 =	simm.s32 $execute0_lowered;
	[smem:$0x3FD2] =	sst s25  }
0xa6: {  	s5 =	sshll.u32 s26, $0x1;
	_ =	strace $0x80000049;
	[dreg:$0x1] =	wrdreg $0xFFFFFFFF  }
0xa7: {  	s28 =	simm.s32 $_size_execute0_lowered;
	s3 =	sadd.s32 s3, s5;
	[dreg:$0x0] =	wrdreg $0x0  }
0xa8: {  	s5 =	sshll.u32 s28, $0x1;
	[dreg:$0x2] =	wrdreg s3  }
0xa9: {  	[dreg:$0x3] =	wrdreg s5  }
0xaa: {  	[dreg:$0x4] =	wrdreg $0xC0  }
0xab: {  	_ =	task [dreg:s7], $0x5FFFF  }
0xac: {  	[dreg:$0x1] =	wrdreg $0xFFFFFFFF  }
0xad: {  	[dreg:$0x0] =	wrdreg $0x60  }
0xae: {  	[dreg:$0x2] =	wrdreg s2  }
0xaf: {  	[dreg:$0x3] =	wrdreg s24  }
0xb0: {  	[dreg:$0x4] =	wrdreg $0x90000  }
0xb1: {  	[dreg:$0x5] =	wrdreg $0x9  }
0xb2: {  	_ =	task.clear_ibuf [dreg:s7], $0x6FFFF;
	_ =	strace $0x90000049  }
0xb3: {  	s29 =	simm.s32 $0x9;
	_ =	strace $0x8000004B  }
0xb4: {  	_ =	swait.ge [sflag:s29], $0x1  }
0xb5: {  	[sflag:s29] =	ssyncadd.s32 $0xFFFFFFFF  }
0xb6: {  	_ =	strace $0x9000004B  }
0xb7: {  	_ =	sfence  }
0xb8: {  	s30 =	sld [smem:$0x0];
	_ =	sdelay $0x2  }
0xb9: {  	s31 =	sshll.u32 s1, $0xD;
	s1 =	sshrl.u32 s1, $0x2  }
0xba: {  	s3 =	sand.u32 $0x4000, s31;
	s1 =	sadd.s32 s1, s30  }
0xbb: {  	s0 =	sor.u32 s3, s0;
	s1 =	sshll.u32 s1, $0x11  }
0xbc: {  	s0 =	sor.u32 s1, s0  }
0xbd: {  	s0 =	sadd.s32 $0x8F2B, s0  }
0xbe: {  	[sflag:s0] =	ssyncadd.remote.s32 $0x1  }
0xbf: {  	_ =	sfence.sel $0xFFFF  }
0xc0: {  	[dreg:$0x0] =	wrdreg $0xFFFFFFFF;
	(pc) =	sbr.abs _section_cstart, $3  }
0xc1: {  	[dreg:$0x1] =	wrdreg $0xFFFFFFFF  }
0xc2: {  	_ =	task.clear_ibuf [dreg:s7], $0x2FFFF;
	_ =	strace $0x9FFFFFFF  }
0xc3: {  	(tm) =	ssettm $0x7FFFFFFF  }
tec
execute0_lowered:
.L_overlay_start_1:
0x0: {  	(tag) =	ssettag $0x1  }
0x1: {  	s1 =	rddreg [dreg:$0x0]  }
0x2: {  	s0 =	srdreg.scid;
	s7 =	rddreg [dreg:$0x1]  }
0x3: {  	s3 =	rddreg [dreg:$0x2];
	s4 =	simm.s32 $0x0;
	s14 =	simm.s32 $0x80  }
0x4: {  	s15 =	simm.s32 $0x5000;
	s16 =	simm.s32 $0x1;
	s6 =	sand.u32 $0x1, s0  }
0x5: {  	s17 =	simm.s32 $0x0;
	s0 =	stileid.u32;
	s8 =	smul.u32 $0x140000, s6  }
0x6: {  	[smem:$0x7FF] =	sst s4;
	s2 =	sshll.u32 s6, $0x4;
	s9 =	smul.u32 $0x14000, s0  }
0x7: {  	s28 =	smul.u32 $0x50000, s0;
	s6 =	ssub.s32 $0x2, s6;
	s2 =	sor.u32 s0, s2  }
0x8: {  	s31 =	sshll.u32 s0, $0x6;
	s29 =	sshrl.u32 s6, $0x1;
	s5 =	smul.u32 $0x500, s2  }
0x9: {  	s2 =	rddreg [dreg:$0x3];
	_ =	strace $0x8000004A;
	s8 =	sadd.s32 s9, s8  }
0xa: {  	s30 =	sshrl.u32 s28, $0x2;
	s12 =	ssub.s32 s6, s29;
	s6 =	sor.u32 $0x1C02, s31  }
0xb: {  	s8 =	sshrl.u32 s8, $0x3;
	s13 =	sadd.s32 s30, s3;
	s10 =	sadd.s32 s5, s7  }
0xc: {  	s5 =	sadd.s32 $0x16000, s7;
	s11 =	sadd.s32 s8, s7;
	s7 =	sadd.s32 $0xC000, s10  }
0xd: {  	s8 =	sadd.s32 $0x2000, s10;
	s9 =	sadd.s32 $0x18800, s11;
	s10 =	smax.u32 s12, $0x1  }
0xe: {  	s11 =	sshrl.u32 s13, $0x3;
	s12 =	simm.s32 $0x2;
	s13 =	simm.s32 $0x2800  }
.LBB2_1:
0xf: {  	[spmem:s11], [sflag:s6] =	dma.local [hbm:s5], $0x2800  }
0x10: {  	_ =	swait.ge [sflag:s12], $0x2800  }
0x11: {  	[sflag:s12] =	ssyncset.done $0x0  }
0x12: {  	[sflag:s12] =	ssyncadd.s32 $0xFFFFD800  }
0x13: {  	[tilespmem:s4], [sflag:$0x2] =	stream.linear.gather [hbm4b:s7+s4], $0x2800, $0x38;
	[tilespmem:$0x1D000] =	vst v63  }
0x14: {  	_ =	swait.ge [sflag:s12], $0x2800  }
0x15: {  	[sflag:s12] =	ssyncset.done $0x0  }
0x16: {  	[sflag:s12] =	ssyncadd.s32 $0xFFFFD800  }
0x17: {  	[tilespmem:s13], [sflag:$0x2] =	stream.linear.gather [hbm4b:s8+s4], $0x2800, $0x38;
	[tilespmem:$0x1D000] =	vst v63  }
0x18: {  	_ =	swait.ge [sflag:s12], $0x2800  }
0x19: {  	[sflag:s12] =	ssyncset.done $0x0  }
0x1a: {  	[sflag:s12] =	ssyncadd.s32 $0xFFFFD800  }
0x1b: {  	s18 =	simm.s32 $0x0;
	[bflag:$0x0] =	sbarrier.arrive $0xFFFF  }
0x1c: {  	[tilespmem:s15], [sflag:$0x1] =	stream.indirect.gather [hbm4b:s1+s14], $0x80, s18, s14, $0xb8;
	[tilespmem:$0x1D000] =	vst v63  }
0x1d: {  	_ =	swait.ge [sflag:s16], $0x4000  }
0x1e: {  	[sflag:s16] =	ssyncset.done $0x0  }
0x1f: {  	s31 =	simm.s32 $0x2800;
	[sflag:s16] =	ssyncadd.s32 $0xFFFFC000  }
0x20: {  	[spmem:s3] =	stream.indirect.scatter.add.f32 [tilespmem:s15], [sflag:$0x2], $0x80, s31, s14, $0xb8;
	[tilespmem:$0x1D000] =	vst v63  }
0x21: {  	_ =	swait.ge [sflag:s12], $0x4000  }
0x22: {  	s19 =	simm.s32 $0x400;
	s18 =	simm.s32 $0x200;
	[sflag:s12] =	ssyncset.done $0x0  }
.LBB2_2:
0x23: {  	s20 =	sshra.s32 s18, $0x2  }
0x24: {  	[sflag:s12] =	ssyncadd.s32 $0xFFFFC000;
	s18 =	smov.u32 s19;
	s21 =	sadd.s32 $0x200, s19  }
0x25: {  	[tilespmem:s15], [sflag:$0x1] =	stream.indirect.gather [hbm4b:s1+s14], $0x80, s20, s14, $0xb8;
	[tilespmem:$0x1D000] =	vst v63  }
0x26: {  	p0 =	sne.s32 s19, $0x9E00;
	_ =	swait.ge [sflag:s16], $0x4000  }
.Ltmp0:
0x27: {  	[sflag:s16] =	ssyncset.done $0x0;
	(pc) =	sbr.rel @p0 .LBB2_2-.Ltmp0, $4  }
0x28: {  	s19 =	sadd.s32 $0x2800, s20;
	[sflag:s16] =	ssyncadd.s32 $0xFFFFC000  }
0x29: {  	[spmem:s3] =	stream.indirect.scatter.add.f32 [tilespmem:s15], [sflag:$0x2], $0x80, s19, s14, $0xb8;
	[tilespmem:$0x1D000] =	vst v63  }
0x2a: {  	_ =	swait.ge [sflag:s12], $0x4000  }
0x2b: {  	s19 =	smov.u32 s21;
	[sflag:s12] =	ssyncset.done $0x0  }
0x2c: {  	s18 =	sshra.s32 s18, $0x2;
	[sflag:s12] =	ssyncadd.s32 $0xFFFFC000  }
0x2d: {  	[tilespmem:s15], [sflag:$0x1] =	stream.indirect.gather [hbm4b:s1+s14], $0x80, s18, s14, $0xb8;
	[tilespmem:$0x1D000] =	vst v63  }
0x2e: {  	_ =	swait.ge [sflag:s16], $0x4000  }
0x2f: {  	[sflag:s16] =	ssyncset.done $0x0  }
0x30: {  	s18 =	sadd.s32 $0x2800, s18;
	[sflag:s16] =	ssyncadd.s32 $0xFFFFC000  }
0x31: {  	[spmem:s3] =	stream.indirect.scatter.add.f32 [tilespmem:s15], [sflag:$0x2], $0x80, s18, s14, $0xb8;
	[tilespmem:$0x1D000] =	vst v63  }
0x32: {  	_ =	swait.ge [sflag:s12], $0x4000  }
0x33: {  	s17 =	sadd.s32 $0x1, s17;
	[sflag:s12] =	ssyncset.done $0x0  }
0x34: {  	p0 =	sne.s32 s17, s10;
	[sflag:s12] =	ssyncadd.s32 $0xFFFFC000  }
.Ltmp1:
0x35: {  	[bflag:$0x0] =	sbarrier.arrive $0xFFFF;
	(pc) =	sbr.rel @p0 .LBB2_1-.Ltmp1, $4  }
0x36: {  	[hbm:s9], [sflag:s6] =	dma.local [spmem:s11], $0x2800  }
0x37: {  	_ =	swait.ge [sflag:s12], $0x2800  }
0x38: {  	[sflag:s12] =	ssyncset.done $0x0  }
0x39: {  	[sflag:s12] =	ssyncadd.s32 $0xFFFFD800  }
0x3a: {  	_ =	sfence.sel $0x180000  }
0x3b: {  	[bflag:$0x0] =	sbarrier.arrive $0xFFFF  }
0x3c: {  	p0 =	sne.s32 s0, $0x0;
	_ =	strace $0x9000004A  }
0x3d: {  	s0 =	sadd.s32 @!p0 $0x100000, s2;
	[bflag:$0x2] =	sbarrier.arrive $0xFFFF  }
0x3e: {  	[sflag:s0] =	ssyncadd.tile.s32 @!p0 $0x1;
	_ =	shalt  }
.Lfunc_end2:
_tile_overlayer_lowered:
.L_overlay_start_2:
0x3f: {  	(tag) =	ssettag $0x2  }
0x40: {  	s0 =	rddreg [dreg:$0x0];
	s2 =	stileid.u32  }
0x41: {  	s1 =	rddreg [dreg:$0x1];
	p0 =	sne.s32 s2, $0x0  }
0x42: {  	s3 =	rddreg [dreg:$0x2];
	[bflag:$0x3] =	sbarrier.arrive $0xFFFF;
	s2 =	simm.s32 @!p0 $0x1C02  }
0x43: {  	[timem:s3], [sflag:s2] =	dma.local @!p0 [hbm:s0], s1  }
0x44: {  	s0 =	simm.s32 @!p0 $0x2  }
0x45: {  	_ =	swait.ge @!p0 [sflag:s0], s1  }
0x46: {  	s1 =	ssub.s32 @!p0 $0x0, s1;
	[sflag:s0] =	ssyncset.done @!p0 $0x0  }
0x47: {  	[sflag:s0] =	ssyncadd.s32 @!p0 s1  }
0x48: {  	[bflag:$0x3] =	sbarrier.arrive $0xFFFF  }
0x49: {  	_ =	shalt  }

</sc_bundles>
